<compile_context>
chip_gen: v7x
topology: tpu7x:2x2x1
jax: 0.10.2.dev20260603
libtpu: 0.0.44.dev20260713+nightly
codegen_flags: <defaults>
</compile_context>

<pallas_src>
import functools

import jax
import jax.numpy as jnp
from jax import lax
from jax.experimental import pallas as pl
from jax.experimental.pallas import tpu as pltpu
from jax.experimental.pallas import tpu_sc as plsc

_D = 128
_B = 4096
_H = 50
_NW = 32
_BC = _B // _NW


def _emb_body(textt_hbm, wf_hbm, wt_hbm, out_hbm,
              idx_v, buf, sem_f, sem_t):
    wid = lax.axis_index("s") * 2 + lax.axis_index("c")
    b0 = wid * _BC
    pltpu.sync_copy(textt_hbm.at[:, pl.ds(b0, _BC)], idx_v)

    def issue(h, b):
        idxc = idx_v.at[h]
        pltpu.async_copy(wf_hbm.at[idxc], buf.at[b, :, pl.ds(0, _D)],
                         sem_f.at[b])
        pltpu.async_copy(wt_hbm.at[idxc], buf.at[b, :, pl.ds(_D, _D)],
                         sem_t.at[b])

    def wait_gather(h, b):
        idxc = idx_v.at[h]
        pltpu.make_async_copy(wf_hbm.at[idxc], buf.at[b, :, pl.ds(0, _D)],
                              sem_f.at[b]).wait()
        pltpu.make_async_copy(wt_hbm.at[idxc], buf.at[b, :, pl.ds(_D, _D)],
                              sem_t.at[b]).wait()

    issue(0, 0)

    @pl.loop(0, _H, step=2)
    def _chunk_loop(h0):
        for b in range(2):
            h = h0 + b

            @pl.when(h + 1 < _H)
            def _():
                issue(h + 1, 1 - b)

            wait_gather(h, b)
            pltpu.sync_copy(buf.at[b], out_hbm.at[h, pl.ds(b0, _BC), :])


@functools.partial(
    pl.kernel,
    out_type=jax.ShapeDtypeStruct((_H, _B, 2 * _D), jnp.float32),
    mesh=plsc.VectorSubcoreMesh(core_axis_name="c", subcore_axis_name="s"),
    scratch_types=[
        pltpu.VMEM((_H, _BC), jnp.int32),
        pltpu.VMEM((2, _BC, 2 * _D), jnp.float32),
        pltpu.SemaphoreType.DMA((2,)),
        pltpu.SemaphoreType.DMA((2,)),
    ],
)
def _emb_lookup(textt_hbm, wf_hbm, wt_hbm, out_hbm,
                idx_v, buf, sem_f, sem_t):
    _emb_body(textt_hbm, wf_hbm, wt_hbm, out_hbm,
              idx_v, buf, sem_f, sem_t)


def kernel(text, W_frozen, W_train):
    textt = text.T.astype(jnp.int32)
    out = _emb_lookup(textt, W_frozen, W_train)
    return out.transpose(1, 0, 2)

# --- scband reference (transcript-rebuilt; emitter-appended) ---
"""Pipeline reference for scband-word-embedding-66666482368762 (READ-ONLY COPY).

The authoritative reference and input builder live on the scoring server;
editing this copy changes nothing except your own understanding.
"""

import jax, jax.numpy as jnp
import numpy as np

VOCAB = 100000
EMBED_DIM = 128
BATCH = 4096
HIST = 50

def setup_inputs(seed: int = 0) -> dict:
    key = jax.random.key(seed)
    k1, k2, k3 = jax.random.split(key, 3)
    text = jax.random.randint(k1, (BATCH, HIST), 0, VOCAB, dtype=jnp.int64 if jax.config.jax_enable_x64 else jnp.int32)
    W_frozen = jax.random.normal(k2, (VOCAB, EMBED_DIM), dtype=jnp.float32)
    W_train = jax.random.normal(k3, (VOCAB, EMBED_DIM), dtype=jnp.float32)
    return {"text": text, "W_frozen": W_frozen, "W_train": W_train}

def reference(text, W_frozen, W_train):
    # frozen embedding lookup
    o_frozen = jnp.take(W_frozen, text, axis=0)  # [B, L, D]
    # mixed=True: trainable embedding lookup, concatenated on last dim
    o_train = jnp.take(W_train, text, axis=0)    # [B, L, D]
    o = jnp.concatenate((o_frozen, o_train), axis=-1)  # [B, L, 2D]
    # F.dropout(p=0.1, training=self.training): eval mode -> identity
    return o

if __name__ == "__main__":
    import jax
    _d = setup_inputs()
    print(jax.jit(kernel)(*tuple(_d.values())))

</pallas_src>

<mosaic_0001>
#map = affine_map<(d0, d1) -> (0, 0)>
#map1 = affine_map<(d0, d1) -> (0, 0, 0)>
module attributes {stable_mosaic.version = 14 : i64} {
  func.func @_emb_lookup(%arg0: i32, %arg1: i32, %arg2: memref<50x4096xi32, #tpu.memory_space<hbm>>, %arg3: memref<100000x128xf32, #tpu.memory_space<hbm>>, %arg4: memref<100000x128xf32, #tpu.memory_space<hbm>>, %arg5: memref<50x4096x256xf32, #tpu.memory_space<hbm>>, %arg6: memref<50x128xi32, #tpu.memory_space<vmem>>, %arg7: memref<2x128x256xf32, #tpu.memory_space<vmem>>, %arg8: memref<2x!tpu.dma_semaphore, #tpu.memory_space<semaphore_mem>>, %arg9: memref<2x!tpu.dma_semaphore, #tpu.memory_space<semaphore_mem>>) attributes {dimension_semantics = [#tpu.dimension_semantics<core_parallel>, #tpu.dimension_semantics<subcore_parallel>], iteration_bounds = array<i64: 2, 16>, scalar_prefetch = 0 : i64, scratch_operands = 4 : i64, tpu.core_type = #tpu.core_type<sc_vector_subcore>, window_params = [{transform_indices = #map}, {transform_indices = #map}, {transform_indices = #map}, {transform_indices = #map1}]} {
    %mul3A = arith.constant 2 : i32
    %mul3A_0 = arith.muli %arg1, %mul3A : i32
    %add3A = arith.addi %mul3A_0, %arg0 : i32
    %mul3A_1 = arith.constant 128 : i32
    %mul3A_2 = arith.muli %add3A, %mul3A_1 : i32
    "tpu.region"() ({
      %run_scoped3A = tpu.sem_alloc : memref<!tpu.dma_semaphore, #tpu.memory_space<semaphore_mem>>
      %dma_start3A_36 = arith.constant 0 : i32
      %dma_start3A_37 = tpu.memref_slice %arg2[%dma_start3A_36, %mul3A_2] : memref<50x4096xi32, #tpu.memory_space<hbm>> -> memref<50x128xi32, #tpu.memory_space<hbm>>
      %dma_start3A_38 = arith.constant 0 : i32
      %dma_start3A_39 = tpu.memref_slice %arg2[%dma_start3A_38, %mul3A_2] : memref<50x4096xi32, #tpu.memory_space<hbm>> -> memref<50x128xi32, #tpu.memory_space<hbm>>
      tpu.enqueue_dma source(%dma_start3A_39 : memref<50x128xi32, #tpu.memory_space<hbm>>) target(%arg6 : memref<50x128xi32, #tpu.memory_space<vmem>>) target_semaphore(%run_scoped3A : memref<!tpu.dma_semaphore, #tpu.memory_space<semaphore_mem>>)
      %dma_wait3A = arith.constant 0 : i32
      %dma_wait3A_40 = tpu.memref_slice %arg2[%dma_wait3A, %mul3A_2] : memref<50x4096xi32, #tpu.memory_space<hbm>> -> memref<50x128xi32, #tpu.memory_space<hbm>>
      %dma_wait3A_41 = arith.constant 0 : i32
      %dma_wait3A_42 = tpu.memref_slice %arg2[%dma_wait3A_41, %mul3A_2] : memref<50x4096xi32, #tpu.memory_space<hbm>> -> memref<50x128xi32, #tpu.memory_space<hbm>>
      tpu.wait_dma2 semaphore(%run_scoped3A : memref<!tpu.dma_semaphore, #tpu.memory_space<semaphore_mem>>) src(%dma_wait3A_42 : memref<50x128xi32, #tpu.memory_space<hbm>>) dst(%arg6 : memref<50x128xi32, #tpu.memory_space<vmem>>)
      tpu.yield
    }) : () -> ()
    %dma_start3A = arith.constant 0 : i32
    %dma_start3A_3 = arith.constant 0 : i32
    %dma_start3A_4 = arith.constant 0 : i32
    %dma_start3A_5 = arith.constant 0 : i32
    %dma_start3A_6 = arith.constant 0 : i32
    %dma_start3A_7 = tpu.memref_slice %arg7[%dma_start3A_3, %dma_start3A_5, %dma_start3A_6] : memref<2x128x256xf32, #tpu.memory_space<vmem>> -> memref<1x128x128xf32, #tpu.memory_space<vmem>>
    %dma_start3A_8 = tpu.memref_squeeze %dma_start3A_7 : memref<1x128x128xf32, #tpu.memory_space<vmem>> -> memref<128x128xf32, #tpu.memory_space<vmem>>
    %dma_start3A_9 = arith.constant 0 : i32
    %dma_start3A_10 = tpu.memref_slice %arg6[%dma_start3A, %dma_start3A_9] : memref<50x128xi32, #tpu.memory_space<vmem>> -> memref<1x128xi32, #tpu.memory_space<vmem>>
    %dma_start3A_11 = tpu.memref_squeeze %dma_start3A_10 : memref<1x128xi32, #tpu.memory_space<vmem>> -> memref<128xi32, #tpu.memory_space<vmem>>
    %dma_start3A_12 = arith.constant 0 : i32
    %dma_start3A_13 = arith.constant 0 : i32
    %dma_start3A_14 = tpu.memref_slice %arg3[%dma_start3A_12, %dma_start3A_13] : memref<100000x128xf32, #tpu.memory_space<hbm>> -> memref<100000x128xf32, #tpu.memory_space<hbm>>
    %dma_start3A_15 = tpu.memref_slice %arg8[%dma_start3A_4] : memref<2x!tpu.dma_semaphore, #tpu.memory_space<semaphore_mem>> -> memref<1x!tpu.dma_semaphore, #tpu.memory_space<semaphore_mem>>
    %dma_start3A_16 = tpu.memref_squeeze %dma_start3A_15 : memref<1x!tpu.dma_semaphore, #tpu.memory_space<semaphore_mem>> -> memref<!tpu.dma_semaphore, #tpu.memory_space<semaphore_mem>>
    tpu.enqueue_indirect_dma source(%dma_start3A_14 : memref<100000x128xf32, #tpu.memory_space<hbm>>) target(%dma_start3A_8 : memref<128x128xf32, #tpu.memory_space<vmem>>) offsets(%dma_start3A_11 : memref<128xi32, #tpu.memory_space<vmem>>) semaphore(%dma_start3A_16 : memref<!tpu.dma_semaphore, #tpu.memory_space<semaphore_mem>>)
    %dma_start3A_17 = arith.constant 0 : i32
    %dma_start3A_18 = arith.constant 0 : i32
    %dma_start3A_19 = arith.constant 0 : i32
    %dma_start3A_20 = arith.constant 0 : i32
    %dma_start3A_21 = arith.constant 128 : i32
    %dma_start3A_22 = tpu.memref_slice %arg7[%dma_start3A_18, %dma_start3A_20, %dma_start3A_21] : memref<2x128x256xf32, #tpu.memory_space<vmem>> -> memref<1x128x128xf32, #tpu.memory_space<vmem>>
    %dma_start3A_23 = tpu.memref_squeeze %dma_start3A_22 : memref<1x128x128xf32, #tpu.memory_space<vmem>> -> memref<128x128xf32, #tpu.memory_space<vmem>>
    %dma_start3A_24 = arith.constant 0 : i32
    %dma_start3A_25 = tpu.memref_slice %arg6[%dma_start3A_17, %dma_start3A_24] : memref<50x128xi32, #tpu.memory_space<vmem>> -> memref<1x128xi32, #tpu.memory_space<vmem>>
    %dma_start3A_26 = tpu.memref_squeeze %dma_start3A_25 : memref<1x128xi32, #tpu.memory_space<vmem>> -> memref<128xi32, #tpu.memory_space<vmem>>
    %dma_start3A_27 = arith.constant 0 : i32
    %dma_start3A_28 = arith.constant 0 : i32
    %dma_start3A_29 = tpu.memref_slice %arg4[%dma_start3A_27, %dma_start3A_28] : memref<100000x128xf32, #tpu.memory_space<hbm>> -> memref<100000x128xf32, #tpu.memory_space<hbm>>
    %dma_start3A_30 = tpu.memref_slice %arg9[%dma_start3A_19] : memref<2x!tpu.dma_semaphore, #tpu.memory_space<semaphore_mem>> -> memref<1x!tpu.dma_semaphore, #tpu.memory_space<semaphore_mem>>
    %dma_start3A_31 = tpu.memref_squeeze %dma_start3A_30 : memref<1x!tpu.dma_semaphore, #tpu.memory_space<semaphore_mem>> -> memref<!tpu.dma_semaphore, #tpu.memory_space<semaphore_mem>>
    tpu.enqueue_indirect_dma source(%dma_start3A_29 : memref<100000x128xf32, #tpu.memory_space<hbm>>) target(%dma_start3A_23 : memref<128x128xf32, #tpu.memory_space<vmem>>) offsets(%dma_start3A_26 : memref<128xi32, #tpu.memory_space<vmem>>) semaphore(%dma_start3A_31 : memref<!tpu.dma_semaphore, #tpu.memory_space<semaphore_mem>>)
    %scan3A = arith.constant 0 : i32
    %scan3A_32 = arith.constant 25 : i32
    %scan3A_33 = arith.addi %scan3A, %scan3A_32 : i32
    %scan3A_34 = arith.constant 1 : i32
    scf.for %scan3A_36 = %scan3A to %scan3A_33 step %scan3A_34  : i32 {
      %mul3A_37 = arith.constant 2 : i32
      %mul3A_38 = arith.muli %scan3A_36, %mul3A_37 : i32
      %add3A_39 = arith.constant 0 : i32
      %add3A_40 = arith.addi %add3A_39, %mul3A_38 : i32
      %add3A_41 = arith.constant 0 : i32
      %add3A_42 = arith.addi %add3A_40, %add3A_41 : i32
      %add3A_43 = arith.constant 1 : i32
      %add3A_44 = arith.addi %add3A_42, %add3A_43 : i32
      %lt3A = arith.constant 50 : i32
      %lt3A_45 = arith.cmpi slt, %add3A_44, %lt3A : i32
      %convert_element_type3A = arith.extui %lt3A_45 : i1 to i32
      %cond3A = arith.constant 0 : i32
      %cond3A_46 = arith.cmpi ne, %convert_element_type3A, %cond3A : i32
      scf.if %cond3A_46 {
        %add3A_112 = arith.constant 1 : i32
        %add3A_113 = arith.addi %add3A_42, %add3A_112 : i32
        %dma_start3A_114 = arith.constant 1 : i32
        %dma_start3A_115 = arith.constant 1 : i32
        %dma_start3A_116 = arith.constant 0 : i32
        %dma_start3A_117 = arith.constant 0 : i32
        %dma_start3A_118 = tpu.memref_slice %arg7[%dma_start3A_114, %dma_start3A_116, %dma_start3A_117] : memref<2x128x256xf32, #tpu.memory_space<vmem>> -> memref<1x128x128xf32, #tpu.memory_space<vmem>>
        %dma_start3A_119 = tpu.memref_squeeze %dma_start3A_118 : memref<1x128x128xf32, #tpu.memory_space<vmem>> -> memref<128x128xf32, #tpu.memory_space<vmem>>
        %dma_start3A_120 = arith.constant 0 : i32
        %dma_start3A_121 = tpu.memref_slice %arg6[%add3A_113, %dma_start3A_120] : memref<50x128xi32, #tpu.memory_space<vmem>> -> memref<1x128xi32, #tpu.memory_space<vmem>>
        %dma_start3A_122 = tpu.memref_squeeze %dma_start3A_121 : memref<1x128xi32, #tpu.memory_space<vmem>> -> memref<128xi32, #tpu.memory_space<vmem>>
        %dma_start3A_123 = arith.constant 0 : i32
        %dma_start3A_124 = arith.constant 0 : i32
        %dma_start3A_125 = tpu.memref_slice %arg3[%dma_start3A_123, %dma_start3A_124] : memref<100000x128xf32, #tpu.memory_space<hbm>> -> memref<100000x128xf32, #tpu.memory_space<hbm>>
        %dma_start3A_126 = tpu.memref_slice %arg8[%dma_start3A_115] : memref<2x!tpu.dma_semaphore, #tpu.memory_space<semaphore_mem>> -> memref<1x!tpu.dma_semaphore, #tpu.memory_space<semaphore_mem>>
        %dma_start3A_127 = tpu.memref_squeeze %dma_start3A_126 : memref<1x!tpu.dma_semaphore, #tpu.memory_space<semaphore_mem>> -> memref<!tpu.dma_semaphore, #tpu.memory_space<semaphore_mem>>
        tpu.enqueue_indirect_dma source(%dma_start3A_125 : memref<100000x128xf32, #tpu.memory_space<hbm>>) target(%dma_start3A_119 : memref<128x128xf32, #tpu.memory_space<vmem>>) offsets(%dma_start3A_122 : memref<128xi32, #tpu.memory_space<vmem>>) semaphore(%dma_start3A_127 : memref<!tpu.dma_semaphore, #tpu.memory_space<semaphore_mem>>)
        %dma_start3A_128 = arith.constant 1 : i32
        %dma_start3A_129 = arith.constant 1 : i32
        %dma_start3A_130 = arith.constant 0 : i32
        %dma_start3A_131 = arith.constant 128 : i32
        %dma_start3A_132 = tpu.memref_slice %arg7[%dma_start3A_128, %dma_start3A_130, %dma_start3A_131] : memref<2x128x256xf32, #tpu.memory_space<vmem>> -> memref<1x128x128xf32, #tpu.memory_space<vmem>>
        %dma_start3A_133 = tpu.memref_squeeze %dma_start3A_132 : memref<1x128x128xf32, #tpu.memory_space<vmem>> -> memref<128x128xf32, #tpu.memory_space<vmem>>
        %dma_start3A_134 = arith.constant 0 : i32
        %dma_start3A_135 = tpu.memref_slice %arg6[%add3A_113, %dma_start3A_134] : memref<50x128xi32, #tpu.memory_space<vmem>> -> memref<1x128xi32, #tpu.memory_space<vmem>>
        %dma_start3A_136 = tpu.memref_squeeze %dma_start3A_135 : memref<1x128xi32, #tpu.memory_space<vmem>> -> memref<128xi32, #tpu.memory_space<vmem>>
        %dma_start3A_137 = arith.constant 0 : i32
        %dma_start3A_138 = arith.constant 0 : i32
        %dma_start3A_139 = tpu.memref_slice %arg4[%dma_start3A_137, %dma_start3A_138] : memref<100000x128xf32, #tpu.memory_space<hbm>> -> memref<100000x128xf32, #tpu.memory_space<hbm>>
        %dma_start3A_140 = tpu.memref_slice %arg9[%dma_start3A_129] : memref<2x!tpu.dma_semaphore, #tpu.memory_space<semaphore_mem>> -> memref<1x!tpu.dma_semaphore, #tpu.memory_space<semaphore_mem>>
        %dma_start3A_141 = tpu.memref_squeeze %dma_start3A_140 : memref<1x!tpu.dma_semaphore, #tpu.memory_space<semaphore_mem>> -> memref<!tpu.dma_semaphore, #tpu.memory_space<semaphore_mem>>
        tpu.enqueue_indirect_dma source(%dma_start3A_139 : memref<100000x128xf32, #tpu.memory_space<hbm>>) target(%dma_start3A_133 : memref<128x128xf32, #tpu.memory_space<vmem>>) offsets(%dma_start3A_136 : memref<128xi32, #tpu.memory_space<vmem>>) semaphore(%dma_start3A_141 : memref<!tpu.dma_semaphore, #tpu.memory_space<semaphore_mem>>)
      } else {
      }
      %dma_wait3A = arith.constant 0 : i32
      %dma_wait3A_47 = arith.constant 0 : i32
      %dma_wait3A_48 = arith.constant 0 : i32
      %dma_wait3A_49 = arith.constant 0 : i32
      %dma_wait3A_50 = tpu.memref_slice %arg7[%dma_wait3A, %dma_wait3A_48, %dma_wait3A_49] : memref<2x128x256xf32, #tpu.memory_space<vmem>> -> memref<1x128x128xf32, #tpu.memory_space<vmem>>
      %dma_wait3A_51 = tpu.memref_squeeze %dma_wait3A_50 : memref<1x128x128xf32, #tpu.memory_space<vmem>> -> memref<128x128xf32, #tpu.memory_space<vmem>>
      %dma_wait3A_52 = arith.constant 0 : i32
      %dma_wait3A_53 = tpu.memref_slice %arg6[%add3A_42, %dma_wait3A_52] : memref<50x128xi32, #tpu.memory_space<vmem>> -> memref<1x128xi32, #tpu.memory_space<vmem>>
      %dma_wait3A_54 = tpu.memref_squeeze %dma_wait3A_53 : memref<1x128xi32, #tpu.memory_space<vmem>> -> memref<128xi32, #tpu.memory_space<vmem>>
      %dma_wait3A_55 = arith.constant 0 : i32
      %dma_wait3A_56 = arith.constant 0 : i32
      %dma_wait3A_57 = tpu.memref_slice %arg3[%dma_wait3A_55, %dma_wait3A_56] : memref<100000x128xf32, #tpu.memory_space<hbm>> -> memref<100000x128xf32, #tpu.memory_space<hbm>>
      %dma_wait3A_58 = tpu.memref_slice %arg8[%dma_wait3A_47] : memref<2x!tpu.dma_semaphore, #tpu.memory_space<semaphore_mem>> -> memref<1x!tpu.dma_semaphore, #tpu.memory_space<semaphore_mem>>
      %dma_wait3A_59 = tpu.memref_squeeze %dma_wait3A_58 : memref<1x!tpu.dma_semaphore, #tpu.memory_space<semaphore_mem>> -> memref<!tpu.dma_semaphore, #tpu.memory_space<semaphore_mem>>
      tpu.wait_indirect_dma semaphore(%dma_wait3A_59 : memref<!tpu.dma_semaphore, #tpu.memory_space<semaphore_mem>>) src(%dma_wait3A_57 : memref<100000x128xf32, #tpu.memory_space<hbm>>) dst(%dma_wait3A_51 : memref<128x128xf32, #tpu.memory_space<vmem>>)
      %dma_wait3A_60 = arith.constant 0 : i32
      %dma_wait3A_61 = arith.constant 0 : i32
      %dma_wait3A_62 = arith.constant 0 : i32
      %dma_wait3A_63 = arith.constant 128 : i32
      %dma_wait3A_64 = tpu.memref_slice %arg7[%dma_wait3A_60, %dma_wait3A_62, %dma_wait3A_63] : memref<2x128x256xf32, #tpu.memory_space<vmem>> -> memref<1x128x128xf32, #tpu.memory_space<vmem>>
      %dma_wait3A_65 = tpu.memref_squeeze %dma_wait3A_64 : memref<1x128x128xf32, #tpu.memory_space<vmem>> -> memref<128x128xf32, #tpu.memory_space<vmem>>
      %dma_wait3A_66 = arith.constant 0 : i32
      %dma_wait3A_67 = tpu.memref_slice %arg6[%add3A_42, %dma_wait3A_66] : memref<50x128xi32, #tpu.memory_space<vmem>> -> memref<1x128xi32, #tpu.memory_space<vmem>>
      %dma_wait3A_68 = tpu.memref_squeeze %dma_wait3A_67 : memref<1x128xi32, #tpu.memory_space<vmem>> -> memref<128xi32, #tpu.memory_space<vmem>>
      %dma_wait3A_69 = arith.constant 0 : i32
      %dma_wait3A_70 = arith.constant 0 : i32
      %dma_wait3A_71 = tpu.memref_slice %arg4[%dma_wait3A_69, %dma_wait3A_70] : memref<100000x128xf32, #tpu.memory_space<hbm>> -> memref<100000x128xf32, #tpu.memory_space<hbm>>
      %dma_wait3A_72 = tpu.memref_slice %arg9[%dma_wait3A_61] : memref<2x!tpu.dma_semaphore, #tpu.memory_space<semaphore_mem>> -> memref<1x!tpu.dma_semaphore, #tpu.memory_space<semaphore_mem>>
      %dma_wait3A_73 = tpu.memref_squeeze %dma_wait3A_72 : memref<1x!tpu.dma_semaphore, #tpu.memory_space<semaphore_mem>> -> memref<!tpu.dma_semaphore, #tpu.memory_space<semaphore_mem>>
      tpu.wait_indirect_dma semaphore(%dma_wait3A_73 : memref<!tpu.dma_semaphore, #tpu.memory_space<semaphore_mem>>) src(%dma_wait3A_71 : memref<100000x128xf32, #tpu.memory_space<hbm>>) dst(%dma_wait3A_65 : memref<128x128xf32, #tpu.memory_space<vmem>>)
      %run_scoped3A = arith.constant 0 : i32
      "tpu.region"() ({
        %run_scoped3A_112 = tpu.sem_alloc : memref<!tpu.dma_semaphore, #tpu.memory_space<semaphore_mem>>
        %dma_start3A_113 = arith.constant 0 : i32
        %dma_start3A_114 = arith.constant 0 : i32
        %dma_start3A_115 = tpu.memref_slice %arg7[%run_scoped3A, %dma_start3A_113, %dma_start3A_114] : memref<2x128x256xf32, #tpu.memory_space<vmem>> -> memref<1x128x256xf32, #tpu.memory_space<vmem>>
        %dma_start3A_116 = tpu.memref_squeeze %dma_start3A_115 : memref<1x128x256xf32, #tpu.memory_space<vmem>> -> memref<128x256xf32, #tpu.memory_space<vmem>>
        %dma_start3A_117 = arith.constant 0 : i32
        %dma_start3A_118 = tpu.memref_slice %arg5[%add3A_42, %mul3A_2, %dma_start3A_117] : memref<50x4096x256xf32, #tpu.memory_space<hbm>> -> memref<1x128x256xf32, #tpu.memory_space<hbm>>
        %dma_start3A_119 = tpu.memref_squeeze %dma_start3A_118 : memref<1x128x256xf32, #tpu.memory_space<hbm>> -> memref<128x256xf32, #tpu.memory_space<hbm>>
        %dma_start3A_120 = arith.constant 0 : i32
        %dma_start3A_121 = tpu.memref_slice %arg5[%add3A_42, %mul3A_2, %dma_start3A_120] : memref<50x4096x256xf32, #tpu.memory_space<hbm>> -> memref<1x128x256xf32, #tpu.memory_space<hbm>>
        %dma_start3A_122 = tpu.memref_squeeze %dma_start3A_121 : memref<1x128x256xf32, #tpu.memory_space<hbm>> -> memref<128x256xf32, #tpu.memory_space<hbm>>
        %dma_start3A_123 = arith.constant 0 : i32
        %dma_start3A_124 = arith.constant 0 : i32
        %dma_start3A_125 = tpu.memref_slice %arg7[%run_scoped3A, %dma_start3A_123, %dma_start3A_124] : memref<2x128x256xf32, #tpu.memory_space<vmem>> -> memref<1x128x256xf32, #tpu.memory_space<vmem>>
        %dma_start3A_126 = tpu.memref_squeeze %dma_start3A_125 : memref<1x128x256xf32, #tpu.memory_space<vmem>> -> memref<128x256xf32, #tpu.memory_space<vmem>>
        tpu.enqueue_dma source(%dma_start3A_126 : memref<128x256xf32, #tpu.memory_space<vmem>>) target(%dma_start3A_122 : memref<128x256xf32, #tpu.memory_space<hbm>>) target_semaphore(%run_scoped3A_112 : memref<!tpu.dma_semaphore, #tpu.memory_space<semaphore_mem>>)
        %dma_wait3A_127 = arith.constant 0 : i32
        %dma_wait3A_128 = arith.constant 0 : i32
        %dma_wait3A_129 = tpu.memref_slice %arg7[%run_scoped3A, %dma_wait3A_127, %dma_wait3A_128] : memref<2x128x256xf32, #tpu.memory_space<vmem>> -> memref<1x128x256xf32, #tpu.memory_space<vmem>>
        %dma_wait3A_130 = tpu.memref_squeeze %dma_wait3A_129 : memref<1x128x256xf32, #tpu.memory_space<vmem>> -> memref<128x256xf32, #tpu.memory_space<vmem>>
        %dma_wait3A_131 = arith.constant 0 : i32
        %dma_wait3A_132 = tpu.memref_slice %arg5[%add3A_42, %mul3A_2, %dma_wait3A_131] : memref<50x4096x256xf32, #tpu.memory_space<hbm>> -> memref<1x128x256xf32, #tpu.memory_space<hbm>>
        %dma_wait3A_133 = tpu.memref_squeeze %dma_wait3A_132 : memref<1x128x256xf32, #tpu.memory_space<hbm>> -> memref<128x256xf32, #tpu.memory_space<hbm>>
        %dma_wait3A_134 = arith.constant 0 : i32
        %dma_wait3A_135 = tpu.memref_slice %arg5[%add3A_42, %mul3A_2, %dma_wait3A_134] : memref<50x4096x256xf32, #tpu.memory_space<hbm>> -> memref<1x128x256xf32, #tpu.memory_space<hbm>>
        %dma_wait3A_136 = tpu.memref_squeeze %dma_wait3A_135 : memref<1x128x256xf32, #tpu.memory_space<hbm>> -> memref<128x256xf32, #tpu.memory_space<hbm>>
        %dma_wait3A_137 = arith.constant 0 : i32
        %dma_wait3A_138 = arith.constant 0 : i32
        %dma_wait3A_139 = tpu.memref_slice %arg7[%run_scoped3A, %dma_wait3A_137, %dma_wait3A_138] : memref<2x128x256xf32, #tpu.memory_space<vmem>> -> memref<1x128x256xf32, #tpu.memory_space<vmem>>
        %dma_wait3A_140 = tpu.memref_squeeze %dma_wait3A_139 : memref<1x128x256xf32, #tpu.memory_space<vmem>> -> memref<128x256xf32, #tpu.memory_space<vmem>>
        tpu.wait_dma2 semaphore(%run_scoped3A_112 : memref<!tpu.dma_semaphore, #tpu.memory_space<semaphore_mem>>) src(%dma_wait3A_140 : memref<128x256xf32, #tpu.memory_space<vmem>>) dst(%dma_wait3A_136 : memref<128x256xf32, #tpu.memory_space<hbm>>)
        tpu.yield
      }) : () -> ()
      %add3A_74 = arith.constant 1 : i32
      %add3A_75 = arith.addi %add3A_40, %add3A_74 : i32
      %add3A_76 = arith.constant 1 : i32
      %add3A_77 = arith.addi %add3A_75, %add3A_76 : i32
      %lt3A_78 = arith.constant 50 : i32
      %lt3A_79 = arith.cmpi slt, %add3A_77, %lt3A_78 : i32
      %convert_element_type3A_80 = arith.extui %lt3A_79 : i1 to i32
      %cond3A_81 = arith.constant 0 : i32
      %cond3A_82 = arith.cmpi ne, %convert_element_type3A_80, %cond3A_81 : i32
      scf.if %cond3A_82 {
        %add3A_112 = arith.constant 1 : i32
        %add3A_113 = arith.addi %add3A_75, %add3A_112 : i32
        %dma_start3A_114 = arith.constant 0 : i32
        %dma_start3A_115 = arith.constant 0 : i32
        %dma_start3A_116 = arith.constant 0 : i32
        %dma_start3A_117 = arith.constant 0 : i32
        %dma_start3A_118 = tpu.memref_slice %arg7[%dma_start3A_114, %dma_start3A_116, %dma_start3A_117] : memref<2x128x256xf32, #tpu.memory_space<vmem>> -> memref<1x128x128xf32, #tpu.memory_space<vmem>>
        %dma_start3A_119 = tpu.memref_squeeze %dma_start3A_118 : memref<1x128x128xf32, #tpu.memory_space<vmem>> -> memref<128x128xf32, #tpu.memory_space<vmem>>
        %dma_start3A_120 = arith.constant 0 : i32
        %dma_start3A_121 = tpu.memref_slice %arg6[%add3A_113, %dma_start3A_120] : memref<50x128xi32, #tpu.memory_space<vmem>> -> memref<1x128xi32, #tpu.memory_space<vmem>>
        %dma_start3A_122 = tpu.memref_squeeze %dma_start3A_121 : memref<1x128xi32, #tpu.memory_space<vmem>> -> memref<128xi32, #tpu.memory_space<vmem>>
        %dma_start3A_123 = arith.constant 0 : i32
        %dma_start3A_124 = arith.constant 0 : i32
        %dma_start3A_125 = tpu.memref_slice %arg3[%dma_start3A_123, %dma_start3A_124] : memref<100000x128xf32, #tpu.memory_space<hbm>> -> memref<100000x128xf32, #tpu.memory_space<hbm>>
        %dma_start3A_126 = tpu.memref_slice %arg8[%dma_start3A_115] : memref<2x!tpu.dma_semaphore, #tpu.memory_space<semaphore_mem>> -> memref<1x!tpu.dma_semaphore, #tpu.memory_space<semaphore_mem>>
        %dma_start3A_127 = tpu.memref_squeeze %dma_start3A_126 : memref<1x!tpu.dma_semaphore, #tpu.memory_space<semaphore_mem>> -> memref<!tpu.dma_semaphore, #tpu.memory_space<semaphore_mem>>
        tpu.enqueue_indirect_dma source(%dma_start3A_125 : memref<100000x128xf32, #tpu.memory_space<hbm>>) target(%dma_start3A_119 : memref<128x128xf32, #tpu.memory_space<vmem>>) offsets(%dma_start3A_122 : memref<128xi32, #tpu.memory_space<vmem>>) semaphore(%dma_start3A_127 : memref<!tpu.dma_semaphore, #tpu.memory_space<semaphore_mem>>)
        %dma_start3A_128 = arith.constant 0 : i32
        %dma_start3A_129 = arith.constant 0 : i32
        %dma_start3A_130 = arith.constant 0 : i32
        %dma_start3A_131 = arith.constant 128 : i32
        %dma_start3A_132 = tpu.memref_slice %arg7[%dma_start3A_128, %dma_start3A_130, %dma_start3A_131] : memref<2x128x256xf32, #tpu.memory_space<vmem>> -> memref<1x128x128xf32, #tpu.memory_space<vmem>>
        %dma_start3A_133 = tpu.memref_squeeze %dma_start3A_132 : memref<1x128x128xf32, #tpu.memory_space<vmem>> -> memref<128x128xf32, #tpu.memory_space<vmem>>
        %dma_start3A_134 = arith.constant 0 : i32
        %dma_start3A_135 = tpu.memref_slice %arg6[%add3A_113, %dma_start3A_134] : memref<50x128xi32, #tpu.memory_space<vmem>> -> memref<1x128xi32, #tpu.memory_space<vmem>>
        %dma_start3A_136 = tpu.memref_squeeze %dma_start3A_135 : memref<1x128xi32, #tpu.memory_space<vmem>> -> memref<128xi32, #tpu.memory_space<vmem>>
        %dma_start3A_137 = arith.constant 0 : i32
        %dma_start3A_138 = arith.constant 0 : i32
        %dma_start3A_139 = tpu.memref_slice %arg4[%dma_start3A_137, %dma_start3A_138] : memref<100000x128xf32, #tpu.memory_space<hbm>> -> memref<100000x128xf32, #tpu.memory_space<hbm>>
        %dma_start3A_140 = tpu.memref_slice %arg9[%dma_start3A_129] : memref<2x!tpu.dma_semaphore, #tpu.memory_space<semaphore_mem>> -> memref<1x!tpu.dma_semaphore, #tpu.memory_space<semaphore_mem>>
        %dma_start3A_141 = tpu.memref_squeeze %dma_start3A_140 : memref<1x!tpu.dma_semaphore, #tpu.memory_space<semaphore_mem>> -> memref<!tpu.dma_semaphore, #tpu.memory_space<semaphore_mem>>
        tpu.enqueue_indirect_dma source(%dma_start3A_139 : memref<100000x128xf32, #tpu.memory_space<hbm>>) target(%dma_start3A_133 : memref<128x128xf32, #tpu.memory_space<vmem>>) offsets(%dma_start3A_136 : memref<128xi32, #tpu.memory_space<vmem>>) semaphore(%dma_start3A_141 : memref<!tpu.dma_semaphore, #tpu.memory_space<semaphore_mem>>)
      } else {
      }
      %dma_wait3A_83 = arith.constant 1 : i32
      %dma_wait3A_84 = arith.constant 1 : i32
      %dma_wait3A_85 = arith.constant 0 : i32
      %dma_wait3A_86 = arith.constant 0 : i32
      %dma_wait3A_87 = tpu.memref_slice %arg7[%dma_wait3A_83, %dma_wait3A_85, %dma_wait3A_86] : memref<2x128x256xf32, #tpu.memory_space<vmem>> -> memref<1x128x128xf32, #tpu.memory_space<vmem>>
      %dma_wait3A_88 = tpu.memref_squeeze %dma_wait3A_87 : memref<1x128x128xf32, #tpu.memory_space<vmem>> -> memref<128x128xf32, #tpu.memory_space<vmem>>
      %dma_wait3A_89 = arith.constant 0 : i32
      %dma_wait3A_90 = tpu.memref_slice %arg6[%add3A_75, %dma_wait3A_89] : memref<50x128xi32, #tpu.memory_space<vmem>> -> memref<1x128xi32, #tpu.memory_space<vmem>>
      %dma_wait3A_91 = tpu.memref_squeeze %dma_wait3A_90 : memref<1x128xi32, #tpu.memory_space<vmem>> -> memref<128xi32, #tpu.memory_space<vmem>>
      %dma_wait3A_92 = arith.constant 0 : i32
      %dma_wait3A_93 = arith.constant 0 : i32
      %dma_wait3A_94 = tpu.memref_slice %arg3[%dma_wait3A_92, %dma_wait3A_93] : memref<100000x128xf32, #tpu.memory_space<hbm>> -> memref<100000x128xf32, #tpu.memory_space<hbm>>
      %dma_wait3A_95 = tpu.memref_slice %arg8[%dma_wait3A_84] : memref<2x!tpu.dma_semaphore, #tpu.memory_space<semaphore_mem>> -> memref<1x!tpu.dma_semaphore, #tpu.memory_space<semaphore_mem>>
      %dma_wait3A_96 = tpu.memref_squeeze %dma_wait3A_95 : memref<1x!tpu.dma_semaphore, #tpu.memory_space<semaphore_mem>> -> memref<!tpu.dma_semaphore, #tpu.memory_space<semaphore_mem>>
      tpu.wait_indirect_dma semaphore(%dma_wait3A_96 : memref<!tpu.dma_semaphore, #tpu.memory_space<semaphore_mem>>) src(%dma_wait3A_94 : memref<100000x128xf32, #tpu.memory_space<hbm>>) dst(%dma_wait3A_88 : memref<128x128xf32, #tpu.memory_space<vmem>>)
      %dma_wait3A_97 = arith.constant 1 : i32
      %dma_wait3A_98 = arith.constant 1 : i32
      %dma_wait3A_99 = arith.constant 0 : i32
      %dma_wait3A_100 = arith.constant 128 : i32
      %dma_wait3A_101 = tpu.memref_slice %arg7[%dma_wait3A_97, %dma_wait3A_99, %dma_wait3A_100] : memref<2x128x256xf32, #tpu.memory_space<vmem>> -> memref<1x128x128xf32, #tpu.memory_space<vmem>>
      %dma_wait3A_102 = tpu.memref_squeeze %dma_wait3A_101 : memref<1x128x128xf32, #tpu.memory_space<vmem>> -> memref<128x128xf32, #tpu.memory_space<vmem>>
      %dma_wait3A_103 = arith.constant 0 : i32
      %dma_wait3A_104 = tpu.memref_slice %arg6[%add3A_75, %dma_wait3A_103] : memref<50x128xi32, #tpu.memory_space<vmem>> -> memref<1x128xi32, #tpu.memory_space<vmem>>
      %dma_wait3A_105 = tpu.memref_squeeze %dma_wait3A_104 : memref<1x128xi32, #tpu.memory_space<vmem>> -> memref<128xi32, #tpu.memory_space<vmem>>
      %dma_wait3A_106 = arith.constant 0 : i32
      %dma_wait3A_107 = arith.constant 0 : i32
      %dma_wait3A_108 = tpu.memref_slice %arg4[%dma_wait3A_106, %dma_wait3A_107] : memref<100000x128xf32, #tpu.memory_space<hbm>> -> memref<100000x128xf32, #tpu.memory_space<hbm>>
      %dma_wait3A_109 = tpu.memref_slice %arg9[%dma_wait3A_98] : memref<2x!tpu.dma_semaphore, #tpu.memory_space<semaphore_mem>> -> memref<1x!tpu.dma_semaphore, #tpu.memory_space<semaphore_mem>>
      %dma_wait3A_110 = tpu.memref_squeeze %dma_wait3A_109 : memref<1x!tpu.dma_semaphore, #tpu.memory_space<semaphore_mem>> -> memref<!tpu.dma_semaphore, #tpu.memory_space<semaphore_mem>>
      tpu.wait_indirect_dma semaphore(%dma_wait3A_110 : memref<!tpu.dma_semaphore, #tpu.memory_space<semaphore_mem>>) src(%dma_wait3A_108 : memref<100000x128xf32, #tpu.memory_space<hbm>>) dst(%dma_wait3A_102 : memref<128x128xf32, #tpu.memory_space<vmem>>)
      %run_scoped3A_111 = arith.constant 1 : i32
      "tpu.region"() ({
        %run_scoped3A_112 = tpu.sem_alloc : memref<!tpu.dma_semaphore, #tpu.memory_space<semaphore_mem>>
        %dma_start3A_113 = arith.constant 0 : i32
        %dma_start3A_114 = arith.constant 0 : i32
        %dma_start3A_115 = tpu.memref_slice %arg7[%run_scoped3A_111, %dma_start3A_113, %dma_start3A_114] : memref<2x128x256xf32, #tpu.memory_space<vmem>> -> memref<1x128x256xf32, #tpu.memory_space<vmem>>
        %dma_start3A_116 = tpu.memref_squeeze %dma_start3A_115 : memref<1x128x256xf32, #tpu.memory_space<vmem>> -> memref<128x256xf32, #tpu.memory_space<vmem>>
        %dma_start3A_117 = arith.constant 0 : i32
        %dma_start3A_118 = tpu.memref_slice %arg5[%add3A_75, %mul3A_2, %dma_start3A_117] : memref<50x4096x256xf32, #tpu.memory_space<hbm>> -> memref<1x128x256xf32, #tpu.memory_space<hbm>>
        %dma_start3A_119 = tpu.memref_squeeze %dma_start3A_118 : memref<1x128x256xf32, #tpu.memory_space<hbm>> -> memref<128x256xf32, #tpu.memory_space<hbm>>
        %dma_start3A_120 = arith.constant 0 : i32
        %dma_start3A_121 = tpu.memref_slice %arg5[%add3A_75, %mul3A_2, %dma_start3A_120] : memref<50x4096x256xf32, #tpu.memory_space<hbm>> -> memref<1x128x256xf32, #tpu.memory_space<hbm>>
        %dma_start3A_122 = tpu.memref_squeeze %dma_start3A_121 : memref<1x128x256xf32, #tpu.memory_space<hbm>> -> memref<128x256xf32, #tpu.memory_space<hbm>>
        %dma_start3A_123 = arith.constant 0 : i32
        %dma_start3A_124 = arith.constant 0 : i32
        %dma_start3A_125 = tpu.memref_slice %arg7[%run_scoped3A_111, %dma_start3A_123, %dma_start3A_124] : memref<2x128x256xf32, #tpu.memory_space<vmem>> -> memref<1x128x256xf32, #tpu.memory_space<vmem>>
        %dma_start3A_126 = tpu.memref_squeeze %dma_start3A_125 : memref<1x128x256xf32, #tpu.memory_space<vmem>> -> memref<128x256xf32, #tpu.memory_space<vmem>>
        tpu.enqueue_dma source(%dma_start3A_126 : memref<128x256xf32, #tpu.memory_space<vmem>>) target(%dma_start3A_122 : memref<128x256xf32, #tpu.memory_space<hbm>>) target_semaphore(%run_scoped3A_112 : memref<!tpu.dma_semaphore, #tpu.memory_space<semaphore_mem>>)
        %dma_wait3A_127 = arith.constant 0 : i32
        %dma_wait3A_128 = arith.constant 0 : i32
        %dma_wait3A_129 = tpu.memref_slice %arg7[%run_scoped3A_111, %dma_wait3A_127, %dma_wait3A_128] : memref<2x128x256xf32, #tpu.memory_space<vmem>> -> memref<1x128x256xf32, #tpu.memory_space<vmem>>
        %dma_wait3A_130 = tpu.memref_squeeze %dma_wait3A_129 : memref<1x128x256xf32, #tpu.memory_space<vmem>> -> memref<128x256xf32, #tpu.memory_space<vmem>>
        %dma_wait3A_131 = arith.constant 0 : i32
        %dma_wait3A_132 = tpu.memref_slice %arg5[%add3A_75, %mul3A_2, %dma_wait3A_131] : memref<50x4096x256xf32, #tpu.memory_space<hbm>> -> memref<1x128x256xf32, #tpu.memory_space<hbm>>
        %dma_wait3A_133 = tpu.memref_squeeze %dma_wait3A_132 : memref<1x128x256xf32, #tpu.memory_space<hbm>> -> memref<128x256xf32, #tpu.memory_space<hbm>>
        %dma_wait3A_134 = arith.constant 0 : i32
        %dma_wait3A_135 = tpu.memref_slice %arg5[%add3A_75, %mul3A_2, %dma_wait3A_134] : memref<50x4096x256xf32, #tpu.memory_space<hbm>> -> memref<1x128x256xf32, #tpu.memory_space<hbm>>
        %dma_wait3A_136 = tpu.memref_squeeze %dma_wait3A_135 : memref<1x128x256xf32, #tpu.memory_space<hbm>> -> memref<128x256xf32, #tpu.memory_space<hbm>>
        %dma_wait3A_137 = arith.constant 0 : i32
        %dma_wait3A_138 = arith.constant 0 : i32
        %dma_wait3A_139 = tpu.memref_slice %arg7[%run_scoped3A_111, %dma_wait3A_137, %dma_wait3A_138] : memref<2x128x256xf32, #tpu.memory_space<vmem>> -> memref<1x128x256xf32, #tpu.memory_space<vmem>>
        %dma_wait3A_140 = tpu.memref_squeeze %dma_wait3A_139 : memref<1x128x256xf32, #tpu.memory_space<vmem>> -> memref<128x256xf32, #tpu.memory_space<vmem>>
        tpu.wait_dma2 semaphore(%run_scoped3A_112 : memref<!tpu.dma_semaphore, #tpu.memory_space<semaphore_mem>>) src(%dma_wait3A_140 : memref<128x256xf32, #tpu.memory_space<vmem>>) dst(%dma_wait3A_136 : memref<128x256xf32, #tpu.memory_space<hbm>>)
        tpu.yield
      }) : () -> ()
    }
    %scan3A_35 = arith.constant 25 : i32
    return
  }
}

</mosaic_0001>

<sc_bundles>
// kernel: kernel.3.cloned.1.call-start
scs
__scs_entry_jumppad:
0x0: {  	(pc) =	sbr.rel $0x88, $3  }
0x1: {  	(tag) =	ssettag $0x0;
	lr =	simm.s32 $0x1  }
0x2: {  	[smem:$0x3F9E] =	sst lr;
	_ =	strace $0xD0000000  }
0x3: {  	_ = 	snop  }
0x4: {  	_ = 	snop  }
0x5: {  	_ = 	snop  }
0x6: {  	_ = 	snop  }
0x7: {  	_ = 	snop  }
__scs_overlays_trampoline_lowered:
0x8: {  	[smem:$0x3FAD] =	sst s0  }
0x9: {  	[smem:$0x3FAE] =	sst s1  }
0xa: {  	[smem:$0x3FAF] =	sst s2  }
0xb: {  	[smem:$0x3FB0] =	sst s3  }
0xc: {  	[smem:$0x3FB1] =	sst s4  }
0xd: {  	[smem:$0x3FB2] =	sst s5  }
0xe: {  	[smem:$0x3FB3] =	sst s6  }
0xf: {  	[smem:$0x3FB4] =	sst s7  }
0x10: {  	[smem:$0x3FB5] =	sst s8  }
0x11: {  	[smem:$0x3FB6] =	sst s9;
	s0 =	simm.s32 @!p0 $0x0  }
0x12: {  	s1 =	sld [smem:$0x3F9C];
	s0 =	simm.s32 @p0 $0x1  }
0x13: {  	[smem:$0x3FB7] =	sst s0;
	s0 =	simm.s32 @!p1 $0x0  }
0x14: {  	s2 =	sld [smem:$0x3F9B];
	s0 =	simm.s32 @p1 $0x1  }
0x15: {  	[smem:$0x3FB8] =	sst s0;
	s0 =	simm.s32 @!p2 $0x0  }
0x16: {  	s3 =	sld [smem:$0x3FDB];
	s0 =	simm.s32 @p2 $0x1  }
0x17: {  	s4 =	simm.s32 $0x1BF5;
	[smem:$0x3FBA] =	sst s0  }
0x18: {  	s0 =	sld [smem:$0x3F9D];
	_ =	swait.ge [sflag:s4], $0x0  }
0x19: {  	s7 =	sld [smem:$0x3F9E]  }
0x1a: {  	s8 =	sadd.s32 $0xFFFFE003, lr  }
0x1b: {  	s9 =	sadd.s32 $0xFFFFFEF7, lr;
	s5 =	simm.s32 $0xFFFFFFFF;
	p2 =	slt.u32 s8, $0xFFFFF086  }
0x1c: {  	p1 =	slt.u32 s9, $0xF7A;
	s5 =	simm.s32 @!p2 $0x0  }
0x1d: {  	s5 =	simm.s32 @p1 $0x1;
	p0 =	seq.s32 s7, s2  }
0x1e: {  	s7 =	smul.u32 @!p0 $0xF7A, s2;
	p2 =	seq.s32 @!p0 s5, $0x0  }
0x1f: {  	s9 =	smul.u32 $0xF7A, s1;
	s8 =	simm.s32 @!p0 $0x1BF5;
	p2 =	por !p2, p0  }
0x20: {  	[sflag:s8] =	ssyncset.s32 @!p0 $0xFFFFF086;
	s6 =	sadd.s32 @!p0 s3, s7;
	s7 =	simm.s32 @!p0 $0x108  }
0x21: {  	s3 =	sadd.s32 s3, s9;
	s6 =	sadd.s32 @!p0 $0x88, s6;
	s7 =	simm.s32 @p2 $0x1082  }
0x22: {  	[simem:s7], [sflag:s8] =	dma.local @!p0 [hbm:s6], $0xF7A  }
0x23: {  	s9 =	sor.u32 $0xD0000000, s2;
	s6 =	simm.s32 $0x108;
	_ =	swait.ge @!p0 [sflag:s8], $0x0  }
0x24: {  	s3 =	sadd.s32 $0x88, s3;
	s6 =	simm.s32 @!p1 $0x1082;
	[sflag:s4] =	ssyncset.s32 $0xFFFFF086  }
0x25: {  	[simem:s6], [sflag:s4] =	dma.local [hbm:s3], $0xF7A  }
0x26: {  	[smem:$0x3F9E] =	sst s1;
	(tag) =	ssettag s2;
	_ =	strace s9  }
0x27: {  	s1 =	sld [smem:$0x3FAE]  }
0x28: {  	s2 =	sld [smem:$0x3FAF]  }
0x29: {  	s4 =	sld [smem:$0x3FB1]  }
0x2a: {  	p0 =	seq.s32 s5, $0x0;
	s5 =	sld [smem:$0x3FB2]  }
0x2b: {  	s6 =	sld [smem:$0x3FB3]  }
0x2c: {  	s7 =	sld [smem:$0x3FB4]  }
0x2d: {  	s3 =	simm.s32 $0x108;
	s8 =	sld [smem:$0x3FB5]  }
0x2e: {  	s3 =	simm.s32 @!p0 $0x1082;
	s9 =	sld [smem:$0x3FB6]  }
0x2f: {  	lr =	sadd.s32 s0, s3;
	s0 =	sld [smem:$0x3FAD]  }
0x30: {  	s3 =	sld [smem:$0x3FB0]  }
0x31: {  	[smem:$0x3FB9] =	sst s10  }
0x32: {  	s10 =	sld [smem:$0x3FB7];
	_ =	sdelay $0x3  }
0x33: {  	p0 =	seq.s32 s10, $0x1;
	s10 =	sld [smem:$0x3FB9];
	_ =	sdelay $0x3  }
0x34: {  	[smem:$0x3FB9] =	sst s10  }
0x35: {  	s10 =	sld [smem:$0x3FB8];
	_ =	sdelay $0x3  }
0x36: {  	p1 =	seq.s32 s10, $0x1;
	s10 =	sld [smem:$0x3FB9];
	_ =	sdelay $0x3  }
0x37: {  	[smem:$0x3FB9] =	sst s10  }
0x38: {  	s10 =	sld [smem:$0x3FBA]  }
0x39: {  	_ = 	snop;
	(pc) =	sbr.ind lr, $3  }
0x3a: {  	_ = 	snop  }
0x3b: {  	_ = 	snop  }
0x3c: {  	p2 =	seq.s32 s10, $0x1;
	s10 =	sld [smem:$0x3FB9]  }
0x3d: {  	_ =	shalt  }
0x3e: {  	_ =	shalt  }
0x3f: {  	_ =	shalt  }
0x40: {  	_ =	shalt  }
0x41: {  	_ =	shalt  }
0x42: {  	_ =	shalt  }
0x43: {  	_ =	shalt  }
0x44: {  	_ =	shalt  }
0x45: {  	_ =	shalt  }
0x46: {  	_ =	shalt  }
0x47: {  	_ =	shalt  }
0x48: {  	_ =	shalt  }
0x49: {  	_ =	shalt  }
0x4a: {  	_ =	shalt  }
0x4b: {  	_ =	shalt  }
0x4c: {  	_ =	shalt  }
0x4d: {  	_ =	shalt  }
0x4e: {  	_ =	shalt  }
0x4f: {  	_ =	shalt  }
0x50: {  	_ =	shalt  }
0x51: {  	_ =	shalt  }
0x52: {  	_ =	shalt  }
0x53: {  	_ =	shalt  }
0x54: {  	_ =	shalt  }
0x55: {  	_ =	shalt  }
0x56: {  	_ =	shalt  }
0x57: {  	_ =	shalt  }
0x58: {  	_ =	shalt  }
0x59: {  	_ =	shalt  }
0x5a: {  	_ =	shalt  }
0x5b: {  	_ =	shalt  }
0x5c: {  	_ =	shalt  }
0x5d: {  	_ =	shalt  }
0x5e: {  	_ =	shalt  }
0x5f: {  	_ =	shalt  }
0x60: {  	_ =	shalt  }
0x61: {  	_ =	shalt  }
0x62: {  	_ =	shalt  }
0x63: {  	_ =	shalt  }
0x64: {  	_ =	shalt  }
0x65: {  	_ =	shalt  }
0x66: {  	_ =	shalt  }
0x67: {  	_ =	shalt  }
0x68: {  	_ =	shalt  }
0x69: {  	_ =	shalt  }
0x6a: {  	_ =	shalt  }
0x6b: {  	_ =	shalt  }
0x6c: {  	_ =	shalt  }
0x6d: {  	_ =	shalt  }
0x6e: {  	_ =	shalt  }
0x6f: {  	_ =	shalt  }
0x70: {  	_ =	shalt  }
0x71: {  	_ =	shalt  }
0x72: {  	_ =	shalt  }
0x73: {  	_ =	shalt  }
0x74: {  	_ =	shalt  }
0x75: {  	_ =	shalt  }
0x76: {  	_ =	shalt  }
0x77: {  	_ =	shalt  }
0x78: {  	_ =	shalt  }
0x79: {  	_ =	shalt  }
0x7a: {  	_ =	shalt  }
0x7b: {  	_ =	shalt  }
0x7c: {  	_ =	shalt  }
0x7d: {  	_ =	shalt  }
0x7e: {  	_ =	shalt  }
0x7f: {  	_ =	shalt  }
0x80: {  	_ =	shalt  }
0x81: {  	_ =	shalt  }
0x82: {  	_ =	shalt  }
0x83: {  	_ =	shalt  }
0x84: {  	_ =	shalt  }
0x85: {  	_ =	shalt  }
0x86: {  	_ =	shalt  }
0x87: {  	_ =	shalt  }
.Lfunc_end0:
.L_simem_size_0:
called_computation_lowered:
.L_overlay_start_0:
0x88: {  	s2 =	sld [smem:$0x3FD9]  }
0x89: {  	s3 =	sld [smem:$0x3FFE];
	_ =	sdelay $0x1  }
0x8a: {  	s1 =	srdreg.scid  }
0x8b: {  	s0 =	sand.u32 $0x1, s1  }
0x8c: {  	s18 =	sshll.u32 s0, $0xA;
	s2 =	sadd.s32 s3, s2  }
0x8d: {  	s2 =	sadd.s32 s2, s18  }
0x8e: {  	[smem:$0x3FC5] =	sst s2  }
0x8f: {  	_ = 	snop  }
0x90: {  	s2 =	sld [smem:$0x3FC9]  }
0x91: {  	s19 =	sld [smem:$0x3FC8]  }
0x92: {  	s4 =	sld [smem:$0x3FC7]  }
0x93: {  	s5 =	sld [smem:$0x3FD0];
	(tm) =	ssettm $0x1  }
0x94: {  	s6 =	sld [smem:$0x3FFB];
	_ =	sdelay $0x3  }
0x95: {  	_ =	strace s6  }
0x96: {  	s6 =	sld [smem:$0x3FFC];
	_ =	sdelay $0x3  }
0x97: {  	_ =	strace s6  }
0x98: {  	s6 =	sld [smem:$0x3FFD];
	_ =	sdelay $0x3  }
0x99: {  	_ =	strace s6  }
0x9a: {  	_ =	strace $0x8FFFFFFF  }
0x9b: {  	s20 =	sld [smem:$0x3FDB];
	_ =	sdelay $0x1  }
0x9c: {  	s7 =	simm.s32 $_scs_section_size  }
0x9d: {  	s8 =	simm.s32 $_size__tile_overlayer_lowered;
	s9 =	simm.s32 $_tile_overlayer_lowered  }
0x9e: {  	s23 =	simm.s32 $0x1BFF;
	s22 =	sshll.u32 s9, $0x1;
	s6 =	sadd.s32 s7, s20  }
0x9f: {  	s10 =	simm.s32 $0x0;
	s21 =	sshll.u32 s8, $0x1;
	s8 =	sadd.s32 s22, s6  }
0xa0: {  	[timem:s10], [sflag:s23] =	dma.local [hbm:s8], s21  }
0xa1: {  	_ =	swait.ge [sflag:s23], s21  }
0xa2: {  	s7 =	ssub.s32 $0x0, s21;
	[sflag:s23] =	ssyncset.done $0x0  }
0xa3: {  	[sflag:s23] =	ssyncadd.s32 s7;
	_ =	sdelay $0x1  }
0xa4: {  	s24 =	simm.s32 $0x1B8B  }
0xa5: {  	_ =	swait.ge [sflag:s24], $0x1  }
0xa6: {  	[sflag:s24] =	ssyncset.done $0x0  }
0xa7: {  	s25 =	simm.s32 $0x1B8E;
	[sflag:s24] =	ssyncadd.s32 $0xFFFFFFFF  }
0xa8: {  	s26 =	simm.s32 $execute0_lowered;
	[smem:$0x3FD2] =	sst s25  }
0xa9: {  	s7 =	sshll.u32 s26, $0x1;
	_ =	strace $0x80000046;
	[dreg:$0x1] =	wrdreg $0xFFFFFFFF  }
0xaa: {  	s28 =	simm.s32 $_size_execute0_lowered;
	s6 =	sadd.s32 s6, s7;
	[dreg:$0x0] =	wrdreg $0x0  }
0xab: {  	s7 =	sshll.u32 s28, $0x1;
	[dreg:$0x2] =	wrdreg s6  }
0xac: {  	[dreg:$0x3] =	wrdreg s7  }
0xad: {  	[dreg:$0x4] =	wrdreg $0xC0  }
0xae: {  	_ =	task [dreg:s10], $0x5FFFF  }
0xaf: {  	[dreg:$0x1] =	wrdreg $0xFFFFFFFF  }
0xb0: {  	[dreg:$0x0] =	wrdreg $0x60  }
0xb1: {  	[dreg:$0x2] =	wrdreg s2  }
0xb2: {  	[dreg:$0x3] =	wrdreg s19  }
0xb3: {  	[dreg:$0x4] =	wrdreg s4  }
0xb4: {  	[dreg:$0x5] =	wrdreg s5  }
0xb5: {  	[dreg:$0x6] =	wrdreg $0x9  }
0xb6: {  	_ =	task.clear_ibuf [dreg:s10], $0x7FFFF;
	_ =	strace $0x90000046  }
0xb7: {  	s29 =	simm.s32 $0x9;
	_ =	strace $0x80000048  }
0xb8: {  	_ =	swait.ge [sflag:s29], $0x1  }
0xb9: {  	[sflag:s29] =	ssyncadd.s32 $0xFFFFFFFF  }
0xba: {  	_ =	strace $0x90000048  }
0xbb: {  	_ =	sfence  }
0xbc: {  	s30 =	sld [smem:$0x0];
	_ =	sdelay $0x2  }
0xbd: {  	s31 =	sshll.u32 s1, $0xD;
	s1 =	sshrl.u32 s1, $0x2  }
0xbe: {  	s3 =	sand.u32 $0x4000, s31;
	s1 =	sadd.s32 s1, s30  }
0xbf: {  	s0 =	sor.u32 s3, s0;
	s1 =	sshll.u32 s1, $0x11  }
0xc0: {  	s0 =	sor.u32 s1, s0  }
0xc1: {  	s0 =	sadd.s32 $0x8F2B, s0  }
0xc2: {  	[sflag:s0] =	ssyncadd.remote.s32 $0x1  }
0xc3: {  	_ =	sfence.sel $0xFFFF  }
0xc4: {  	[dreg:$0x0] =	wrdreg $0xFFFFFFFF;
	(pc) =	sbr.abs _section_cstart, $3  }
0xc5: {  	[dreg:$0x1] =	wrdreg $0xFFFFFFFF  }
0xc6: {  	_ =	task.clear_ibuf [dreg:s10], $0x2FFFF;
	_ =	strace $0x9FFFFFFF  }
0xc7: {  	(tm) =	ssettm $0x7FFFFFFF  }
tec
execute0_lowered:
.L_overlay_start_1:
0x0: {  	(tag) =	ssettag $0x1  }
0x1: {  	s0 =	rddreg [dreg:$0x0]  }
0x2: {  	s1 =	rddreg [dreg:$0x1]  }
0x3: {  	s2 =	rddreg [dreg:$0x2]  }
0x4: {  	s3 =	rddreg [dreg:$0x3]  }
0x5: {  	s4 =	simm.s32 $0x0;
	s5 =	srdreg.scid;
	s9 =	stileid.u32  }
0x6: {  	s13 =	simm.s32 $0x5;
	s14 =	simm.s32 $0x1C00;
	s22 =	simm.s32 $0x9C00  }
0x7: {  	s11 =	simm.s32 $0xA000;
	s15 =	simm.s32 $0xA800;
	s16 =	simm.s32 $0xB000  }
0x8: {  	s17 =	simm.s32 $0xB800;
	s18 =	simm.s32 $0xC000;
	s19 =	simm.s32 $0xC800  }
0x9: {  	s20 =	simm.s32 $0xD000;
	s21 =	simm.s32 $0xD800;
	s23 =	simm.s32 $0xE000  }
0xa: {  	s24 =	simm.s32 $0xE800;
	s25 =	simm.s32 $0xF000;
	s28 =	simm.s32 $0x10000  }
0xb: {  	s29 =	simm.s32 $0x10800;
	s30 =	simm.s32 $0x11000;
	s31 =	simm.s32 $0x11800  }
0xc: {  	s12 =	simm.s32 $0x4;
	[smem:$0x7FF] =	sst s4;
	s5 =	sand.u32 $0x1, s5  }
0xd: {  	s7 =	sshll.u32 s9, $0x8;
	s9 =	sshll.u32 s9, $0x10;
	_ =	strace $0x80000047  }
0xe: {  	s6 =	ssub.s32 $0x2, s5;
	s8 =	sshll.u32 s5, $0x7;
	s5 =	sshll.u32 s5, $0xF  }
0xf: {  	s10 =	sshrl.u32 s6, $0x1;
	s7 =	sor.u32 s8, s7;
	s5 =	sor.u32 s5, s9  }
0x10: {  	s6 =	ssub.s32 s6, s10;
	s7 =	sadd.s32 s0, s7;
	s26 =	sor.u32 $0x100000, s5  }
.Ltmp0:
0x11: {  	s5 =	sshrl.u32 s5, $0x3;
	s10 =	simm.s32 $0x2;
	(pc) =	sbr.rel .LBB2_1-.Ltmp0, $4  }
0x12: {  	[dreg:$0x5] =	wrdreg s7;
	s7 =	sadd.s32 $0x6000, s7;
	s0 =	sshrl.u32 s26, $0x3  }
0x13: {  	v2 =	vlaneseq.u32;
	s6 =	smax.u32 s6, $0x1;
	s9 =	sadd.s32 s5, s3;
	[dreg:$0x6] =	wrdreg s7  }
0x14: {  	vm0 =	vmmov $0xff;
	v1 =	vshrl.u32 v2, $0x3;
	s26 =	simm.s32 $0xF800;
	[dreg:$0x7] =	wrdreg s6;
	s8 =	sadd.s32 s0, s3  }
0x15: {  	v0 =	vand.u32 $0x7, v2;
	v2 =	vor.u32 $0x8, v2;
	v1 =	vmul.u32 $0x8, v1;
	s0 =	simm.s32 $0x1;
	s3 =	simm.s32 $0x3;
	s6 =	simm.s32 $0x0  }
.LBB2_5:
0x16: {  	s6 =	rddreg [dreg:$0x8]  }
0x17: {  	s5 =	rddreg [dreg:$0x7];
	s6 =	sadd.s32 $0x1, s6  }
0x18: {  	p0 =	sne.s32 s6, s5  }
.Ltmp1:
0x19: {  	_ = 	snop;
	(pc) =	sbr.rel @!p0 .LBB2_6-.Ltmp1, $1  }
0x1a: {  	_ =	sdelay $0x3  }
.LBB2_1:
0x1b: {  	[dreg:$0x8] =	wrdreg s6  }
0x1c: {  	s5 =	rddreg [dreg:$0x5];
	s6 =	simm.s32 $0x400;
	s7 =	simm.s32 $0x8000  }
0x1d: {  	[tilespmem:s4], [sflag:$0x5] =	stream.strided.gather [hbm4b:s5+s6], $0x1800, s7, s6, $0x38;
	[tilespmem:$0x11C00] =	vst v63  }
0x1e: {  	s5 =	rddreg [dreg:$0x6];
	s6 =	simm.s32 $0x1800  }
0x1f: {  	[tilespmem:s6], [sflag:$0x5] =	stream.linear.gather [hbm4b:s5+s4], $0x100, $0x38;
	[tilespmem:$0x11C00] =	vst v63  }
0x20: {  	_ =	swait.ge [sflag:s13], $0x1900  }
0x21: {  	[sflag:s13] =	ssyncset.done $0x0  }
0x22: {  	[sflag:s13] =	ssyncadd.s32 $0xFFFFE700  }
0x23: {  	v3 =	vld [tilespmem:$0x0];
	_ =	sdelay $0x4  }
0x24: {  	v4 =	vperm.xlane v3, v0;
	_ =	sdelay $0x1  }
0x25: {  	v3 =	vperm.xlane v3, v2;
	v4 =	vadd.s32 v1, v4;
	_ =	sdelay $0x1  }
0x26: {  	v3 =	vadd.s32 v1, v3;
	_ =	sdelay $0x2  }
0x27: {  	[tilespmem:s14], [sflag:$0x1] =	stream.indirect_vreg.gather [hbm4b:s1+s4], $0x80, v4, vm0, $0xb8;
	[tilespmem:$0x11C00] =	vst v63  }
0x28: {  	s6 =	simm.s32 $0x2400  }
0x29: {  	[tilespmem:s6], [sflag:$0x1] =	stream.indirect_vreg.gather [hbm4b:s1+s4], $0x80, v3, vm0, $0xb8;
	[tilespmem:$0x11C00] =	vst v63  }
0x2a: {  	v3 =	vld [tilespmem:$0x10];
	_ =	sdelay $0x4  }
0x2b: {  	v49 =	vperm.xlane v3, v0;
	_ =	sdelay $0x1  }
0x2c: {  	v3 =	vperm.xlane v3, v2;
	v4 =	vadd.s32 v1, v49;
	_ =	sdelay $0x1  }
0x2d: {  	v3 =	vadd.s32 v1, v3;
	_ =	sdelay $0x1  }
0x2e: {  	s6 =	simm.s32 $0x2C00  }
0x2f: {  	[tilespmem:s6], [sflag:$0x1] =	stream.indirect_vreg.gather [hbm4b:s1+s4], $0x80, v4, vm0, $0xb8;
	[tilespmem:$0x11C00] =	vst v63  }
0x30: {  	s6 =	simm.s32 $0x3400  }
0x31: {  	[tilespmem:s6], [sflag:$0x1] =	stream.indirect_vreg.gather [hbm4b:s1+s4], $0x80, v3, vm0, $0xb8;
	[tilespmem:$0x11C00] =	vst v63  }
0x32: {  	v3 =	vld [tilespmem:$0x20];
	_ =	sdelay $0x4  }
0x33: {  	v50 =	vperm.xlane v3, v0;
	_ =	sdelay $0x1  }
0x34: {  	v3 =	vperm.xlane v3, v2;
	v4 =	vadd.s32 v1, v50;
	_ =	sdelay $0x1  }
0x35: {  	v3 =	vadd.s32 v1, v3;
	_ =	sdelay $0x1  }
0x36: {  	s6 =	simm.s32 $0x3C00  }
0x37: {  	[tilespmem:s6], [sflag:$0x1] =	stream.indirect_vreg.gather [hbm4b:s1+s4], $0x80, v4, vm0, $0xb8;
	[tilespmem:$0x11C00] =	vst v63  }
0x38: {  	s6 =	simm.s32 $0x4400  }
0x39: {  	[tilespmem:s6], [sflag:$0x1] =	stream.indirect_vreg.gather [hbm4b:s1+s4], $0x80, v3, vm0, $0xb8;
	[tilespmem:$0x11C00] =	vst v63  }
0x3a: {  	v3 =	vld [tilespmem:$0x30];
	_ =	sdelay $0x4  }
0x3b: {  	v51 =	vperm.xlane v3, v0;
	_ =	sdelay $0x1  }
0x3c: {  	v3 =	vperm.xlane v3, v2;
	v4 =	vadd.s32 v1, v51;
	_ =	sdelay $0x1  }
0x3d: {  	v3 =	vadd.s32 v1, v3;
	_ =	sdelay $0x1  }
0x3e: {  	s6 =	simm.s32 $0x4C00  }
0x3f: {  	[tilespmem:s6], [sflag:$0x1] =	stream.indirect_vreg.gather [hbm4b:s1+s4], $0x80, v4, vm0, $0xb8;
	[tilespmem:$0x11C00] =	vst v63  }
0x40: {  	s6 =	simm.s32 $0x5400  }
0x41: {  	[tilespmem:s6], [sflag:$0x1] =	stream.indirect_vreg.gather [hbm4b:s1+s4], $0x80, v3, vm0, $0xb8;
	[tilespmem:$0x11C00] =	vst v63  }
0x42: {  	v3 =	vld [tilespmem:$0x40];
	_ =	sdelay $0x4  }
0x43: {  	v52 =	vperm.xlane v3, v0;
	_ =	sdelay $0x1  }
0x44: {  	v3 =	vperm.xlane v3, v2;
	v4 =	vadd.s32 v1, v52;
	_ =	sdelay $0x1  }
0x45: {  	v3 =	vadd.s32 v1, v3;
	_ =	sdelay $0x1  }
0x46: {  	s6 =	simm.s32 $0x5C00  }
0x47: {  	[tilespmem:s6], [sflag:$0x1] =	stream.indirect_vreg.gather [hbm4b:s1+s4], $0x80, v4, vm0, $0xb8;
	[tilespmem:$0x11C00] =	vst v63  }
0x48: {  	s6 =	simm.s32 $0x6400  }
0x49: {  	[tilespmem:s6], [sflag:$0x1] =	stream.indirect_vreg.gather [hbm4b:s1+s4], $0x80, v3, vm0, $0xb8;
	[tilespmem:$0x11C00] =	vst v63  }
0x4a: {  	v3 =	vld [tilespmem:$0x50];
	_ =	sdelay $0x4  }
0x4b: {  	v53 =	vperm.xlane v3, v0;
	_ =	sdelay $0x1  }
0x4c: {  	v3 =	vperm.xlane v3, v2;
	v4 =	vadd.s32 v1, v53;
	_ =	sdelay $0x1  }
0x4d: {  	v3 =	vadd.s32 v1, v3;
	_ =	sdelay $0x1  }
0x4e: {  	s6 =	simm.s32 $0x6C00  }
0x4f: {  	[tilespmem:s6], [sflag:$0x1] =	stream.indirect_vreg.gather [hbm4b:s1+s4], $0x80, v4, vm0, $0xb8;
	[tilespmem:$0x11C00] =	vst v63  }
0x50: {  	s6 =	simm.s32 $0x7400  }
0x51: {  	[tilespmem:s6], [sflag:$0x1] =	stream.indirect_vreg.gather [hbm4b:s1+s4], $0x80, v3, vm0, $0xb8;
	[tilespmem:$0x11C00] =	vst v63  }
0x52: {  	v3 =	vld [tilespmem:$0x60];
	_ =	sdelay $0x4  }
0x53: {  	v54 =	vperm.xlane v3, v0;
	_ =	sdelay $0x1  }
0x54: {  	v3 =	vperm.xlane v3, v2;
	v4 =	vadd.s32 v1, v54;
	_ =	sdelay $0x1  }
0x55: {  	v3 =	vadd.s32 v1, v3;
	_ =	sdelay $0x1  }
0x56: {  	s6 =	simm.s32 $0x7C00  }
0x57: {  	[tilespmem:s6], [sflag:$0x1] =	stream.indirect_vreg.gather [hbm4b:s1+s4], $0x80, v4, vm0, $0xb8;
	[tilespmem:$0x11C00] =	vst v63  }
0x58: {  	s6 =	simm.s32 $0x8400  }
0x59: {  	[tilespmem:s6], [sflag:$0x1] =	stream.indirect_vreg.gather [hbm4b:s1+s4], $0x80, v3, vm0, $0xb8;
	[tilespmem:$0x11C00] =	vst v63  }
0x5a: {  	v3 =	vld [tilespmem:$0x70];
	_ =	sdelay $0x4  }
0x5b: {  	v55 =	vperm.xlane v3, v0;
	_ =	sdelay $0x1  }
0x5c: {  	v3 =	vperm.xlane v3, v2;
	v4 =	vadd.s32 v1, v55;
	_ =	sdelay $0x1  }
0x5d: {  	v3 =	vadd.s32 v1, v3;
	_ =	sdelay $0x1  }
0x5e: {  	s6 =	simm.s32 $0x8C00  }
0x5f: {  	[tilespmem:s6], [sflag:$0x1] =	stream.indirect_vreg.gather [hbm4b:s1+s4], $0x80, v4, vm0, $0xb8;
	[tilespmem:$0x11C00] =	vst v63  }
0x60: {  	s6 =	simm.s32 $0x9400  }
0x61: {  	[tilespmem:s6], [sflag:$0x1] =	stream.indirect_vreg.gather [hbm4b:s1+s4], $0x80, v3, vm0, $0xb8;
	[tilespmem:$0x11C00] =	vst v63  }
0x62: {  	v3 =	vld [tilespmem:$0x0];
	_ =	sdelay $0x4  }
0x63: {  	v56 =	vperm.xlane v3, v0;
	_ =	sdelay $0x1  }
0x64: {  	v3 =	vperm.xlane v3, v2;
	v4 =	vadd.s32 v1, v56;
	_ =	sdelay $0x1  }
0x65: {  	v3 =	vadd.s32 v1, v3;
	_ =	sdelay $0x1  }
0x66: {  	s6 =	simm.s32 $0x2000  }
0x67: {  	[tilespmem:s6], [sflag:$0x3] =	stream.indirect_vreg.gather [hbm4b:s2+s4], $0x80, v4, vm0, $0xb8;
	[tilespmem:$0x11C00] =	vst v63  }
0x68: {  	s6 =	simm.s32 $0x2800  }
0x69: {  	[tilespmem:s6], [sflag:$0x3] =	stream.indirect_vreg.gather [hbm4b:s2+s4], $0x80, v3, vm0, $0xb8;
	[tilespmem:$0x11C00] =	vst v63  }
0x6a: {  	v3 =	vld [tilespmem:$0x10];
	_ =	sdelay $0x4  }
0x6b: {  	v57 =	vperm.xlane v3, v0;
	_ =	sdelay $0x1  }
0x6c: {  	v3 =	vperm.xlane v3, v2;
	v4 =	vadd.s32 v1, v57;
	_ =	sdelay $0x1  }
0x6d: {  	v3 =	vadd.s32 v1, v3;
	_ =	sdelay $0x1  }
0x6e: {  	s6 =	simm.s32 $0x3000  }
0x6f: {  	[tilespmem:s6], [sflag:$0x3] =	stream.indirect_vreg.gather [hbm4b:s2+s4], $0x80, v4, vm0, $0xb8;
	[tilespmem:$0x11C00] =	vst v63  }
0x70: {  	s6 =	simm.s32 $0x3800  }
0x71: {  	[tilespmem:s6], [sflag:$0x3] =	stream.indirect_vreg.gather [hbm4b:s2+s4], $0x80, v3, vm0, $0xb8;
	[tilespmem:$0x11C00] =	vst v63  }
0x72: {  	v3 =	vld [tilespmem:$0x20];
	_ =	sdelay $0x4  }
0x73: {  	v58 =	vperm.xlane v3, v0;
	_ =	sdelay $0x1  }
0x74: {  	v3 =	vperm.xlane v3, v2;
	v4 =	vadd.s32 v1, v58;
	_ =	sdelay $0x1  }
0x75: {  	v3 =	vadd.s32 v1, v3;
	_ =	sdelay $0x1  }
0x76: {  	s6 =	simm.s32 $0x4000  }
0x77: {  	[tilespmem:s6], [sflag:$0x3] =	stream.indirect_vreg.gather [hbm4b:s2+s4], $0x80, v4, vm0, $0xb8;
	[tilespmem:$0x11C00] =	vst v63  }
0x78: {  	s6 =	simm.s32 $0x4800  }
0x79: {  	[tilespmem:s6], [sflag:$0x3] =	stream.indirect_vreg.gather [hbm4b:s2+s4], $0x80, v3, vm0, $0xb8;
	[tilespmem:$0x11C00] =	vst v63  }
0x7a: {  	v3 =	vld [tilespmem:$0x30];
	_ =	sdelay $0x4  }
0x7b: {  	v59 =	vperm.xlane v3, v0;
	_ =	sdelay $0x1  }
0x7c: {  	v3 =	vperm.xlane v3, v2;
	v4 =	vadd.s32 v1, v59;
	_ =	sdelay $0x1  }
0x7d: {  	v3 =	vadd.s32 v1, v3;
	_ =	sdelay $0x1  }
0x7e: {  	s6 =	simm.s32 $0x5000  }
0x7f: {  	[tilespmem:s6], [sflag:$0x3] =	stream.indirect_vreg.gather [hbm4b:s2+s4], $0x80, v4, vm0, $0xb8;
	[tilespmem:$0x11C00] =	vst v63  }
0x80: {  	s6 =	simm.s32 $0x5800  }
0x81: {  	[tilespmem:s6], [sflag:$0x3] =	stream.indirect_vreg.gather [hbm4b:s2+s4], $0x80, v3, vm0, $0xb8;
	[tilespmem:$0x11C00] =	vst v63  }
0x82: {  	v3 =	vld [tilespmem:$0x40];
	_ =	sdelay $0x4  }
0x83: {  	v60 =	vperm.xlane v3, v0;
	_ =	sdelay $0x1  }
0x84: {  	v3 =	vperm.xlane v3, v2;
	v4 =	vadd.s32 v1, v60;
	_ =	sdelay $0x1  }
0x85: {  	v3 =	vadd.s32 v1, v3;
	_ =	sdelay $0x1  }
0x86: {  	s6 =	simm.s32 $0x6000  }
0x87: {  	[tilespmem:s6], [sflag:$0x3] =	stream.indirect_vreg.gather [hbm4b:s2+s4], $0x80, v4, vm0, $0xb8;
	[tilespmem:$0x11C00] =	vst v63  }
0x88: {  	s6 =	simm.s32 $0x6800  }
0x89: {  	[tilespmem:s6], [sflag:$0x3] =	stream.indirect_vreg.gather [hbm4b:s2+s4], $0x80, v3, vm0, $0xb8;
	[tilespmem:$0x11C00] =	vst v63  }
0x8a: {  	v3 =	vld [tilespmem:$0x50];
	_ =	sdelay $0x4  }
0x8b: {  	v61 =	vperm.xlane v3, v0;
	_ =	sdelay $0x1  }
0x8c: {  	v3 =	vperm.xlane v3, v2;
	v4 =	vadd.s32 v1, v61;
	_ =	sdelay $0x1  }
0x8d: {  	v3 =	vadd.s32 v1, v3;
	_ =	sdelay $0x1  }
0x8e: {  	s6 =	simm.s32 $0x7000  }
0x8f: {  	[tilespmem:s6], [sflag:$0x3] =	stream.indirect_vreg.gather [hbm4b:s2+s4], $0x80, v4, vm0, $0xb8;
	[tilespmem:$0x11C00] =	vst v63  }
0x90: {  	s6 =	simm.s32 $0x7800  }
0x91: {  	[tilespmem:s6], [sflag:$0x3] =	stream.indirect_vreg.gather [hbm4b:s2+s4], $0x80, v3, vm0, $0xb8;
	[tilespmem:$0x11C00] =	vst v63  }
0x92: {  	v3 =	vld [tilespmem:$0x60];
	_ =	sdelay $0x4  }
0x93: {  	v62 =	vperm.xlane v3, v0;
	_ =	sdelay $0x1  }
0x94: {  	v3 =	vperm.xlane v3, v2;
	v4 =	vadd.s32 v1, v62;
	_ =	sdelay $0x1  }
0x95: {  	v3 =	vadd.s32 v1, v3;
	_ =	sdelay $0x2  }
0x96: {  	[tilespmem:s7], [sflag:$0x3] =	stream.indirect_vreg.gather [hbm4b:s2+s4], $0x80, v4, vm0, $0xb8;
	[tilespmem:$0x11C00] =	vst v63  }
0x97: {  	s7 =	simm.s32 $0x8800  }
0x98: {  	[tilespmem:s7], [sflag:$0x3] =	stream.indirect_vreg.gather [hbm4b:s2+s4], $0x80, v3, vm0, $0xb8;
	[tilespmem:$0x11C00] =	vst v63  }
0x99: {  	v3 =	vld [tilespmem:$0x70];
	_ =	sdelay $0x4  }
0x9a: {  	v63 =	vperm.xlane v3, v0;
	_ =	sdelay $0x1  }
0x9b: {  	v3 =	vperm.xlane v3, v2;
	v4 =	vadd.s32 v1, v63;
	_ =	sdelay $0x1  }
0x9c: {  	v3 =	vadd.s32 v1, v3;
	_ =	sdelay $0x1  }
.Ltmp2:
0x9d: {  	s6 =	simm.s32 $0x9000;
	(pc) =	sbr.rel .LBB2_2-.Ltmp2, $4  }
0x9e: {  	[tilespmem:s6], [sflag:$0x3] =	stream.indirect_vreg.gather [hbm4b:s2+s4], $0x80, v4, vm0, $0xb8;
	[tilespmem:$0x11C00] =	vst v63  }
0x9f: {  	s7 =	simm.s32 $0x9800  }
0xa0: {  	[tilespmem:s7], [sflag:$0x3] =	stream.indirect_vreg.gather [hbm4b:s2+s4], $0x80, v3, vm0, $0xb8;
	[tilespmem:$0x11C00] =	vst v63  }
0xa1: {  	s6 =	simm.s32 $0xC0;
	s7 =	simm.s32 $0x0  }
.LBB2_4:
0xa2: {  	_ =	swait.ge [sflag:s10], $0x4000  }
0xa3: {  	[sflag:s10] =	ssyncset.done $0x0  }
0xa4: {  	[sflag:s10] =	ssyncadd.s32 $0xFFFFC000  }
0xa5: {  	s5 =	sadd.s32 s7, s8;
	s7 =	sadd.s32 $0x40000, s7;
	_ =	swait.ge [sflag:s12], $0x4000  }
0xa6: {  	p0 =	sne.s32 s7, $0x640000;
	[sflag:s12] =	ssyncset.done $0x0  }
.Ltmp3:
0xa7: {  	[sflag:s12] =	ssyncadd.s32 $0xFFFFC000;
	(pc) =	sbr.rel @!p0 .LBB2_5-.Ltmp3, $4  }
0xa8: {  	[hbm4b:s5+s4] =	stream.linear.scatter [tilespmem:s22], [sflag:$0x5], $0x8000, $0x38;
	[tilespmem:$0x11C00] =	vst v63  }
0xa9: {  	_ =	swait.ge [sflag:s13], $0x8000  }
0xaa: {  	[sflag:s13] =	ssyncset.done $0x0  }
0xab: {  	s6 =	sadd.s32 $0x100, s6;
	[sflag:s13] =	ssyncadd.s32 $0xFFFF8000  }
.LBB2_2:
0xac: {  	v3 =	vld [tilespmem:s6+$0xFFFFFFC0];
	_ =	sdelay $0x4  }
0xad: {  	v4 =	vperm.xlane v3, v0;
	_ =	sdelay $0x1  }
0xae: {  	v3 =	vperm.xlane v3, v2;
	v4 =	vadd.s32 v1, v4;
	_ =	sdelay $0x1  }
0xaf: {  	v3 =	vadd.s32 v1, v3;
	_ =	sdelay $0x2  }
0xb0: {  	[tilespmem:s22], [sflag:$0x2] =	stream.indirect_vreg.gather [hbm4b:s1+s4], $0x80, v4, vm0, $0xb8;
	[tilespmem:$0x11C00] =	vst v63  }
0xb1: {  	s5 =	simm.s32 $0xA400  }
0xb2: {  	[tilespmem:s5], [sflag:$0x2] =	stream.indirect_vreg.gather [hbm4b:s1+s4], $0x80, v3, vm0, $0xb8;
	[tilespmem:$0x11C00] =	vst v63  }
0xb3: {  	v3 =	vld [tilespmem:s6+$0xFFFFFFD0];
	_ =	sdelay $0x4  }
0xb4: {  	v49 =	vperm.xlane v3, v0;
	_ =	sdelay $0x1  }
0xb5: {  	v3 =	vperm.xlane v3, v2;
	v4 =	vadd.s32 v1, v49;
	_ =	sdelay $0x1  }
0xb6: {  	v3 =	vadd.s32 v1, v3;
	_ =	sdelay $0x1  }
0xb7: {  	s5 =	simm.s32 $0xAC00  }
0xb8: {  	[tilespmem:s5], [sflag:$0x2] =	stream.indirect_vreg.gather [hbm4b:s1+s4], $0x80, v4, vm0, $0xb8;
	[tilespmem:$0x11C00] =	vst v63  }
0xb9: {  	s5 =	simm.s32 $0xB400  }
0xba: {  	[tilespmem:s5], [sflag:$0x2] =	stream.indirect_vreg.gather [hbm4b:s1+s4], $0x80, v3, vm0, $0xb8;
	[tilespmem:$0x11C00] =	vst v63  }
0xbb: {  	v3 =	vld [tilespmem:s6+$0xFFFFFFE0];
	_ =	sdelay $0x4  }
0xbc: {  	v50 =	vperm.xlane v3, v0;
	_ =	sdelay $0x1  }
0xbd: {  	v3 =	vperm.xlane v3, v2;
	v4 =	vadd.s32 v1, v50;
	_ =	sdelay $0x1  }
0xbe: {  	v3 =	vadd.s32 v1, v3;
	_ =	sdelay $0x1  }
0xbf: {  	s5 =	simm.s32 $0xBC00  }
0xc0: {  	[tilespmem:s5], [sflag:$0x2] =	stream.indirect_vreg.gather [hbm4b:s1+s4], $0x80, v4, vm0, $0xb8;
	[tilespmem:$0x11C00] =	vst v63  }
0xc1: {  	s5 =	simm.s32 $0xC400  }
0xc2: {  	[tilespmem:s5], [sflag:$0x2] =	stream.indirect_vreg.gather [hbm4b:s1+s4], $0x80, v3, vm0, $0xb8;
	[tilespmem:$0x11C00] =	vst v63  }
0xc3: {  	v3 =	vld [tilespmem:s6+$0xFFFFFFF0];
	_ =	sdelay $0x4  }
0xc4: {  	v51 =	vperm.xlane v3, v0;
	_ =	sdelay $0x1  }
0xc5: {  	v3 =	vperm.xlane v3, v2;
	v4 =	vadd.s32 v1, v51;
	_ =	sdelay $0x1  }
0xc6: {  	v3 =	vadd.s32 v1, v3;
	_ =	sdelay $0x1  }
0xc7: {  	s5 =	simm.s32 $0xCC00  }
0xc8: {  	[tilespmem:s5], [sflag:$0x2] =	stream.indirect_vreg.gather [hbm4b:s1+s4], $0x80, v4, vm0, $0xb8;
	[tilespmem:$0x11C00] =	vst v63  }
0xc9: {  	s5 =	simm.s32 $0xD400  }
0xca: {  	[tilespmem:s5], [sflag:$0x2] =	stream.indirect_vreg.gather [hbm4b:s1+s4], $0x80, v3, vm0, $0xb8;
	[tilespmem:$0x11C00] =	vst v63  }
0xcb: {  	v3 =	vld [tilespmem:s6+$0x0];
	_ =	sdelay $0x4  }
0xcc: {  	v52 =	vperm.xlane v3, v0;
	_ =	sdelay $0x1  }
0xcd: {  	v3 =	vperm.xlane v3, v2;
	v4 =	vadd.s32 v1, v52;
	_ =	sdelay $0x1  }
0xce: {  	v3 =	vadd.s32 v1, v3;
	_ =	sdelay $0x1  }
0xcf: {  	s5 =	simm.s32 $0xDC00  }
0xd0: {  	[tilespmem:s5], [sflag:$0x2] =	stream.indirect_vreg.gather [hbm4b:s1+s4], $0x80, v4, vm0, $0xb8;
	[tilespmem:$0x11C00] =	vst v63  }
0xd1: {  	s5 =	simm.s32 $0xE400  }
0xd2: {  	[tilespmem:s5], [sflag:$0x2] =	stream.indirect_vreg.gather [hbm4b:s1+s4], $0x80, v3, vm0, $0xb8;
	[tilespmem:$0x11C00] =	vst v63  }
0xd3: {  	v3 =	vld [tilespmem:s6+$0x10];
	_ =	sdelay $0x4  }
0xd4: {  	v53 =	vperm.xlane v3, v0;
	_ =	sdelay $0x1  }
0xd5: {  	v3 =	vperm.xlane v3, v2;
	v4 =	vadd.s32 v1, v53;
	_ =	sdelay $0x1  }
0xd6: {  	v3 =	vadd.s32 v1, v3;
	_ =	sdelay $0x1  }
0xd7: {  	s5 =	simm.s32 $0xEC00  }
0xd8: {  	[tilespmem:s5], [sflag:$0x2] =	stream.indirect_vreg.gather [hbm4b:s1+s4], $0x80, v4, vm0, $0xb8;
	[tilespmem:$0x11C00] =	vst v63  }
0xd9: {  	s5 =	simm.s32 $0xF400  }
0xda: {  	[tilespmem:s5], [sflag:$0x2] =	stream.indirect_vreg.gather [hbm4b:s1+s4], $0x80, v3, vm0, $0xb8;
	[tilespmem:$0x11C00] =	vst v63  }
0xdb: {  	v3 =	vld [tilespmem:s6+$0x20];
	_ =	sdelay $0x4  }
0xdc: {  	v54 =	vperm.xlane v3, v0;
	_ =	sdelay $0x1  }
0xdd: {  	v3 =	vperm.xlane v3, v2;
	v4 =	vadd.s32 v1, v54;
	_ =	sdelay $0x1  }
0xde: {  	v3 =	vadd.s32 v1, v3;
	_ =	sdelay $0x1  }
0xdf: {  	s5 =	simm.s32 $0xFC00  }
0xe0: {  	[tilespmem:s5], [sflag:$0x2] =	stream.indirect_vreg.gather [hbm4b:s1+s4], $0x80, v4, vm0, $0xb8;
	[tilespmem:$0x11C00] =	vst v63  }
0xe1: {  	s5 =	simm.s32 $0x10400  }
0xe2: {  	[tilespmem:s5], [sflag:$0x2] =	stream.indirect_vreg.gather [hbm4b:s1+s4], $0x80, v3, vm0, $0xb8;
	[tilespmem:$0x11C00] =	vst v63  }
0xe3: {  	v3 =	vld [tilespmem:s6+$0x30];
	_ =	sdelay $0x4  }
0xe4: {  	v55 =	vperm.xlane v3, v0;
	_ =	sdelay $0x1  }
0xe5: {  	v3 =	vperm.xlane v3, v2;
	v4 =	vadd.s32 v1, v55;
	_ =	sdelay $0x1  }
0xe6: {  	v3 =	vadd.s32 v1, v3;
	_ =	sdelay $0x1  }
0xe7: {  	s5 =	simm.s32 $0x10C00  }
0xe8: {  	[tilespmem:s5], [sflag:$0x2] =	stream.indirect_vreg.gather [hbm4b:s1+s4], $0x80, v4, vm0, $0xb8;
	[tilespmem:$0x11C00] =	vst v63  }
0xe9: {  	s5 =	simm.s32 $0x11400  }
0xea: {  	[tilespmem:s5], [sflag:$0x2] =	stream.indirect_vreg.gather [hbm4b:s1+s4], $0x80, v3, vm0, $0xb8;
	[tilespmem:$0x11C00] =	vst v63  }
0xeb: {  	v3 =	vld [tilespmem:s6+$0xFFFFFFC0];
	_ =	sdelay $0x4  }
0xec: {  	v56 =	vperm.xlane v3, v0;
	_ =	sdelay $0x1  }
0xed: {  	v3 =	vperm.xlane v3, v2;
	v4 =	vadd.s32 v1, v56;
	_ =	sdelay $0x1  }
0xee: {  	v3 =	vadd.s32 v1, v3;
	_ =	sdelay $0x2  }
0xef: {  	[tilespmem:s11], [sflag:$0x4] =	stream.indirect_vreg.gather [hbm4b:s2+s4], $0x80, v4, vm0, $0xb8;
	[tilespmem:$0x11C00] =	vst v63  }
0xf0: {  	_ = 	snop  }
0xf1: {  	[tilespmem:s15], [sflag:$0x4] =	stream.indirect_vreg.gather [hbm4b:s2+s4], $0x80, v3, vm0, $0xb8;
	[tilespmem:$0x11C00] =	vst v63  }
0xf2: {  	v3 =	vld [tilespmem:s6+$0xFFFFFFD0];
	_ =	sdelay $0x4  }
0xf3: {  	v57 =	vperm.xlane v3, v0;
	_ =	sdelay $0x1  }
0xf4: {  	v3 =	vperm.xlane v3, v2;
	v4 =	vadd.s32 v1, v57;
	_ =	sdelay $0x1  }
0xf5: {  	v3 =	vadd.s32 v1, v3;
	_ =	sdelay $0x2  }
0xf6: {  	[tilespmem:s16], [sflag:$0x4] =	stream.indirect_vreg.gather [hbm4b:s2+s4], $0x80, v4, vm0, $0xb8;
	[tilespmem:$0x11C00] =	vst v63  }
0xf7: {  	_ = 	snop  }
0xf8: {  	[tilespmem:s17], [sflag:$0x4] =	stream.indirect_vreg.gather [hbm4b:s2+s4], $0x80, v3, vm0, $0xb8;
	[tilespmem:$0x11C00] =	vst v63  }
0xf9: {  	v3 =	vld [tilespmem:s6+$0xFFFFFFE0];
	_ =	sdelay $0x4  }
0xfa: {  	v58 =	vperm.xlane v3, v0;
	_ =	sdelay $0x1  }
0xfb: {  	v3 =	vperm.xlane v3, v2;
	v4 =	vadd.s32 v1, v58;
	_ =	sdelay $0x1  }
0xfc: {  	v3 =	vadd.s32 v1, v3;
	_ =	sdelay $0x2  }
0xfd: {  	[tilespmem:s18], [sflag:$0x4] =	stream.indirect_vreg.gather [hbm4b:s2+s4], $0x80, v4, vm0, $0xb8;
	[tilespmem:$0x11C00] =	vst v63  }
0xfe: {  	_ = 	snop  }
0xff: {  	[tilespmem:s19], [sflag:$0x4] =	stream.indirect_vreg.gather [hbm4b:s2+s4], $0x80, v3, vm0, $0xb8;
	[tilespmem:$0x11C00] =	vst v63  }
0x100: {  	v3 =	vld [tilespmem:s6+$0xFFFFFFF0];
	_ =	sdelay $0x4  }
0x101: {  	v59 =	vperm.xlane v3, v0;
	_ =	sdelay $0x1  }
0x102: {  	v3 =	vperm.xlane v3, v2;
	v4 =	vadd.s32 v1, v59;
	_ =	sdelay $0x1  }
0x103: {  	v3 =	vadd.s32 v1, v3;
	_ =	sdelay $0x2  }
0x104: {  	[tilespmem:s20], [sflag:$0x4] =	stream.indirect_vreg.gather [hbm4b:s2+s4], $0x80, v4, vm0, $0xb8;
	[tilespmem:$0x11C00] =	vst v63  }
0x105: {  	_ = 	snop  }
0x106: {  	[tilespmem:s21], [sflag:$0x4] =	stream.indirect_vreg.gather [hbm4b:s2+s4], $0x80, v3, vm0, $0xb8;
	[tilespmem:$0x11C00] =	vst v63  }
0x107: {  	v3 =	vld [tilespmem:s6+$0x0];
	_ =	sdelay $0x4  }
0x108: {  	v60 =	vperm.xlane v3, v0;
	_ =	sdelay $0x1  }
0x109: {  	v3 =	vperm.xlane v3, v2;
	v4 =	vadd.s32 v1, v60;
	_ =	sdelay $0x1  }
0x10a: {  	v3 =	vadd.s32 v1, v3;
	_ =	sdelay $0x2  }
0x10b: {  	[tilespmem:s23], [sflag:$0x4] =	stream.indirect_vreg.gather [hbm4b:s2+s4], $0x80, v4, vm0, $0xb8;
	[tilespmem:$0x11C00] =	vst v63  }
0x10c: {  	_ = 	snop  }
0x10d: {  	[tilespmem:s24], [sflag:$0x4] =	stream.indirect_vreg.gather [hbm4b:s2+s4], $0x80, v3, vm0, $0xb8;
	[tilespmem:$0x11C00] =	vst v63  }
0x10e: {  	v3 =	vld [tilespmem:s6+$0x10];
	_ =	sdelay $0x4  }
0x10f: {  	v61 =	vperm.xlane v3, v0;
	_ =	sdelay $0x1  }
0x110: {  	v3 =	vperm.xlane v3, v2;
	v4 =	vadd.s32 v1, v61;
	_ =	sdelay $0x1  }
0x111: {  	v3 =	vadd.s32 v1, v3;
	_ =	sdelay $0x2  }
0x112: {  	[tilespmem:s25], [sflag:$0x4] =	stream.indirect_vreg.gather [hbm4b:s2+s4], $0x80, v4, vm0, $0xb8;
	[tilespmem:$0x11C00] =	vst v63  }
0x113: {  	_ = 	snop  }
0x114: {  	[tilespmem:s26], [sflag:$0x4] =	stream.indirect_vreg.gather [hbm4b:s2+s4], $0x80, v3, vm0, $0xb8;
	[tilespmem:$0x11C00] =	vst v63  }
0x115: {  	v3 =	vld [tilespmem:s6+$0x20];
	_ =	sdelay $0x4  }
0x116: {  	v62 =	vperm.xlane v3, v0;
	_ =	sdelay $0x1  }
0x117: {  	v3 =	vperm.xlane v3, v2;
	v4 =	vadd.s32 v1, v62;
	_ =	sdelay $0x1  }
0x118: {  	v3 =	vadd.s32 v1, v3;
	_ =	sdelay $0x2  }
0x119: {  	[tilespmem:s28], [sflag:$0x4] =	stream.indirect_vreg.gather [hbm4b:s2+s4], $0x80, v4, vm0, $0xb8;
	[tilespmem:$0x11C00] =	vst v63  }
0x11a: {  	_ = 	snop  }
0x11b: {  	[tilespmem:s29], [sflag:$0x4] =	stream.indirect_vreg.gather [hbm4b:s2+s4], $0x80, v3, vm0, $0xb8;
	[tilespmem:$0x11C00] =	vst v63  }
0x11c: {  	v3 =	vld [tilespmem:s6+$0x30];
	_ =	sdelay $0x4  }
0x11d: {  	v63 =	vperm.xlane v3, v0;
	_ =	sdelay $0x1  }
0x11e: {  	v3 =	vperm.xlane v3, v2;
	v4 =	vadd.s32 v1, v63;
	_ =	sdelay $0x1  }
0x11f: {  	v3 =	vadd.s32 v1, v3;
	_ =	sdelay $0x2  }
0x120: {  	[tilespmem:s30], [sflag:$0x4] =	stream.indirect_vreg.gather [hbm4b:s2+s4], $0x80, v4, vm0, $0xb8;
	[tilespmem:$0x11C00] =	vst v63  }
0x121: {  	_ = 	snop  }
0x122: {  	[tilespmem:s31], [sflag:$0x4] =	stream.indirect_vreg.gather [hbm4b:s2+s4], $0x80, v3, vm0, $0xb8;
	[tilespmem:$0x11C00] =	vst v63  }
0x123: {  	_ =	swait.ge [sflag:s0], $0x4000  }
0x124: {  	[sflag:s0] =	ssyncset.done $0x0  }
0x125: {  	[sflag:s0] =	ssyncadd.s32 $0xFFFFC000  }
0x126: {  	_ =	swait.ge [sflag:s3], $0x4000  }
0x127: {  	p0 =	seq.s32 s7, $0x600000;
	[sflag:s3] =	ssyncset.done $0x0  }
.Ltmp4:
0x128: {  	s5 =	sadd.s32 s7, s9;
	[sflag:s3] =	ssyncadd.s32 $0xFFFFC000;
	(pc) =	sbr.rel @p0 .LBB2_4-.Ltmp4, $4  }
0x129: {  	[hbm4b:s5+s4] =	stream.linear.scatter [tilespmem:s14], [sflag:$0x5], $0x8000, $0x38;
	[tilespmem:$0x11C00] =	vst v63  }
0x12a: {  	_ =	swait.ge [sflag:s13], $0x8000  }
0x12b: {  	[sflag:s13] =	ssyncset.done $0x0  }
0x12c: {  	[sflag:s13] =	ssyncadd.s32 $0xFFFF8000  }
0x12d: {  	v3 =	vld [tilespmem:s6+$0x40];
	_ =	sdelay $0x4  }
0x12e: {  	v4 =	vperm.xlane v3, v0;
	_ =	sdelay $0x1  }
0x12f: {  	v3 =	vperm.xlane v3, v2;
	v4 =	vadd.s32 v1, v4;
	_ =	sdelay $0x1  }
0x130: {  	v3 =	vadd.s32 v1, v3;
	_ =	sdelay $0x2  }
0x131: {  	[tilespmem:s14], [sflag:$0x1] =	stream.indirect_vreg.gather [hbm4b:s1+s4], $0x80, v4, vm0, $0xb8;
	[tilespmem:$0x11C00] =	vst v63  }
0x132: {  	s5 =	simm.s32 $0x2400  }
0x133: {  	[tilespmem:s5], [sflag:$0x1] =	stream.indirect_vreg.gather [hbm4b:s1+s4], $0x80, v3, vm0, $0xb8;
	[tilespmem:$0x11C00] =	vst v63  }
0x134: {  	v3 =	vld [tilespmem:s6+$0x50];
	_ =	sdelay $0x4  }
0x135: {  	v49 =	vperm.xlane v3, v0;
	_ =	sdelay $0x1  }
0x136: {  	v3 =	vperm.xlane v3, v2;
	v4 =	vadd.s32 v1, v49;
	_ =	sdelay $0x1  }
0x137: {  	v3 =	vadd.s32 v1, v3;
	_ =	sdelay $0x1  }
0x138: {  	s5 =	simm.s32 $0x2C00  }
0x139: {  	[tilespmem:s5], [sflag:$0x1] =	stream.indirect_vreg.gather [hbm4b:s1+s4], $0x80, v4, vm0, $0xb8;
	[tilespmem:$0x11C00] =	vst v63  }
0x13a: {  	s5 =	simm.s32 $0x3400  }
0x13b: {  	[tilespmem:s5], [sflag:$0x1] =	stream.indirect_vreg.gather [hbm4b:s1+s4], $0x80, v3, vm0, $0xb8;
	[tilespmem:$0x11C00] =	vst v63  }
0x13c: {  	v3 =	vld [tilespmem:s6+$0x60];
	_ =	sdelay $0x4  }
0x13d: {  	v50 =	vperm.xlane v3, v0;
	_ =	sdelay $0x1  }
0x13e: {  	v3 =	vperm.xlane v3, v2;
	v4 =	vadd.s32 v1, v50;
	_ =	sdelay $0x1  }
0x13f: {  	v3 =	vadd.s32 v1, v3;
	_ =	sdelay $0x1  }
0x140: {  	s5 =	simm.s32 $0x3C00  }
0x141: {  	[tilespmem:s5], [sflag:$0x1] =	stream.indirect_vreg.gather [hbm4b:s1+s4], $0x80, v4, vm0, $0xb8;
	[tilespmem:$0x11C00] =	vst v63  }
0x142: {  	s5 =	simm.s32 $0x4400  }
0x143: {  	[tilespmem:s5], [sflag:$0x1] =	stream.indirect_vreg.gather [hbm4b:s1+s4], $0x80, v3, vm0, $0xb8;
	[tilespmem:$0x11C00] =	vst v63  }
0x144: {  	v3 =	vld [tilespmem:s6+$0x70];
	_ =	sdelay $0x4  }
0x145: {  	v51 =	vperm.xlane v3, v0;
	_ =	sdelay $0x1  }
0x146: {  	v3 =	vperm.xlane v3, v2;
	v4 =	vadd.s32 v1, v51;
	_ =	sdelay $0x1  }
0x147: {  	v3 =	vadd.s32 v1, v3;
	_ =	sdelay $0x1  }
0x148: {  	s5 =	simm.s32 $0x4C00  }
0x149: {  	[tilespmem:s5], [sflag:$0x1] =	stream.indirect_vreg.gather [hbm4b:s1+s4], $0x80, v4, vm0, $0xb8;
	[tilespmem:$0x11C00] =	vst v63  }
0x14a: {  	s5 =	simm.s32 $0x5400  }
0x14b: {  	[tilespmem:s5], [sflag:$0x1] =	stream.indirect_vreg.gather [hbm4b:s1+s4], $0x80, v3, vm0, $0xb8;
	[tilespmem:$0x11C00] =	vst v63  }
0x14c: {  	v3 =	vld [tilespmem:s6+$0x80];
	_ =	sdelay $0x4  }
0x14d: {  	v52 =	vperm.xlane v3, v0;
	_ =	sdelay $0x1  }
0x14e: {  	v3 =	vperm.xlane v3, v2;
	v4 =	vadd.s32 v1, v52;
	_ =	sdelay $0x1  }
0x14f: {  	v3 =	vadd.s32 v1, v3;
	_ =	sdelay $0x1  }
0x150: {  	s5 =	simm.s32 $0x5C00  }
0x151: {  	[tilespmem:s5], [sflag:$0x1] =	stream.indirect_vreg.gather [hbm4b:s1+s4], $0x80, v4, vm0, $0xb8;
	[tilespmem:$0x11C00] =	vst v63  }
0x152: {  	s5 =	simm.s32 $0x6400  }
0x153: {  	[tilespmem:s5], [sflag:$0x1] =	stream.indirect_vreg.gather [hbm4b:s1+s4], $0x80, v3, vm0, $0xb8;
	[tilespmem:$0x11C00] =	vst v63  }
0x154: {  	v3 =	vld [tilespmem:s6+$0x90];
	_ =	sdelay $0x4  }
0x155: {  	v53 =	vperm.xlane v3, v0;
	_ =	sdelay $0x1  }
0x156: {  	v3 =	vperm.xlane v3, v2;
	v4 =	vadd.s32 v1, v53;
	_ =	sdelay $0x1  }
0x157: {  	v3 =	vadd.s32 v1, v3;
	_ =	sdelay $0x1  }
0x158: {  	s5 =	simm.s32 $0x6C00  }
0x159: {  	[tilespmem:s5], [sflag:$0x1] =	stream.indirect_vreg.gather [hbm4b:s1+s4], $0x80, v4, vm0, $0xb8;
	[tilespmem:$0x11C00] =	vst v63  }
0x15a: {  	s5 =	simm.s32 $0x7400  }
0x15b: {  	[tilespmem:s5], [sflag:$0x1] =	stream.indirect_vreg.gather [hbm4b:s1+s4], $0x80, v3, vm0, $0xb8;
	[tilespmem:$0x11C00] =	vst v63  }
0x15c: {  	v3 =	vld [tilespmem:s6+$0xA0];
	_ =	sdelay $0x4  }
0x15d: {  	v54 =	vperm.xlane v3, v0;
	_ =	sdelay $0x1  }
0x15e: {  	v3 =	vperm.xlane v3, v2;
	v4 =	vadd.s32 v1, v54;
	_ =	sdelay $0x1  }
0x15f: {  	v3 =	vadd.s32 v1, v3;
	_ =	sdelay $0x1  }
0x160: {  	s5 =	simm.s32 $0x7C00  }
0x161: {  	[tilespmem:s5], [sflag:$0x1] =	stream.indirect_vreg.gather [hbm4b:s1+s4], $0x80, v4, vm0, $0xb8;
	[tilespmem:$0x11C00] =	vst v63  }
0x162: {  	s5 =	simm.s32 $0x8400  }
0x163: {  	[tilespmem:s5], [sflag:$0x1] =	stream.indirect_vreg.gather [hbm4b:s1+s4], $0x80, v3, vm0, $0xb8;
	[tilespmem:$0x11C00] =	vst v63  }
0x164: {  	v3 =	vld [tilespmem:s6+$0xB0];
	_ =	sdelay $0x4  }
0x165: {  	v55 =	vperm.xlane v3, v0;
	_ =	sdelay $0x1  }
0x166: {  	v3 =	vperm.xlane v3, v2;
	v4 =	vadd.s32 v1, v55;
	_ =	sdelay $0x1  }
0x167: {  	v3 =	vadd.s32 v1, v3;
	_ =	sdelay $0x1  }
0x168: {  	s5 =	simm.s32 $0x8C00  }
0x169: {  	[tilespmem:s5], [sflag:$0x1] =	stream.indirect_vreg.gather [hbm4b:s1+s4], $0x80, v4, vm0, $0xb8;
	[tilespmem:$0x11C00] =	vst v63  }
0x16a: {  	s5 =	simm.s32 $0x9400  }
0x16b: {  	[tilespmem:s5], [sflag:$0x1] =	stream.indirect_vreg.gather [hbm4b:s1+s4], $0x80, v3, vm0, $0xb8;
	[tilespmem:$0x11C00] =	vst v63  }
0x16c: {  	v3 =	vld [tilespmem:s6+$0x40];
	_ =	sdelay $0x4  }
0x16d: {  	v56 =	vperm.xlane v3, v0;
	_ =	sdelay $0x1  }
0x16e: {  	v3 =	vperm.xlane v3, v2;
	v4 =	vadd.s32 v1, v56;
	_ =	sdelay $0x1  }
0x16f: {  	v3 =	vadd.s32 v1, v3;
	_ =	sdelay $0x1  }
0x170: {  	s5 =	simm.s32 $0x2000  }
0x171: {  	[tilespmem:s5], [sflag:$0x3] =	stream.indirect_vreg.gather [hbm4b:s2+s4], $0x80, v4, vm0, $0xb8;
	[tilespmem:$0x11C00] =	vst v63  }
0x172: {  	s5 =	simm.s32 $0x2800  }
0x173: {  	[tilespmem:s5], [sflag:$0x3] =	stream.indirect_vreg.gather [hbm4b:s2+s4], $0x80, v3, vm0, $0xb8;
	[tilespmem:$0x11C00] =	vst v63  }
0x174: {  	v3 =	vld [tilespmem:s6+$0x50];
	_ =	sdelay $0x4  }
0x175: {  	v57 =	vperm.xlane v3, v0;
	_ =	sdelay $0x1  }
0x176: {  	v3 =	vperm.xlane v3, v2;
	v4 =	vadd.s32 v1, v57;
	_ =	sdelay $0x1  }
0x177: {  	v3 =	vadd.s32 v1, v3;
	_ =	sdelay $0x1  }
0x178: {  	s5 =	simm.s32 $0x3000  }
0x179: {  	[tilespmem:s5], [sflag:$0x3] =	stream.indirect_vreg.gather [hbm4b:s2+s4], $0x80, v4, vm0, $0xb8;
	[tilespmem:$0x11C00] =	vst v63  }
0x17a: {  	s5 =	simm.s32 $0x3800  }
0x17b: {  	[tilespmem:s5], [sflag:$0x3] =	stream.indirect_vreg.gather [hbm4b:s2+s4], $0x80, v3, vm0, $0xb8;
	[tilespmem:$0x11C00] =	vst v63  }
0x17c: {  	v3 =	vld [tilespmem:s6+$0x60];
	_ =	sdelay $0x4  }
0x17d: {  	v58 =	vperm.xlane v3, v0;
	_ =	sdelay $0x1  }
0x17e: {  	v3 =	vperm.xlane v3, v2;
	v4 =	vadd.s32 v1, v58;
	_ =	sdelay $0x1  }
0x17f: {  	v3 =	vadd.s32 v1, v3;
	_ =	sdelay $0x1  }
0x180: {  	s5 =	simm.s32 $0x4000  }
0x181: {  	[tilespmem:s5], [sflag:$0x3] =	stream.indirect_vreg.gather [hbm4b:s2+s4], $0x80, v4, vm0, $0xb8;
	[tilespmem:$0x11C00] =	vst v63  }
0x182: {  	s5 =	simm.s32 $0x4800  }
0x183: {  	[tilespmem:s5], [sflag:$0x3] =	stream.indirect_vreg.gather [hbm4b:s2+s4], $0x80, v3, vm0, $0xb8;
	[tilespmem:$0x11C00] =	vst v63  }
0x184: {  	v3 =	vld [tilespmem:s6+$0x70];
	_ =	sdelay $0x4  }
0x185: {  	v59 =	vperm.xlane v3, v0;
	_ =	sdelay $0x1  }
0x186: {  	v3 =	vperm.xlane v3, v2;
	v4 =	vadd.s32 v1, v59;
	_ =	sdelay $0x1  }
0x187: {  	v3 =	vadd.s32 v1, v3;
	_ =	sdelay $0x1  }
0x188: {  	s5 =	simm.s32 $0x5000  }
0x189: {  	[tilespmem:s5], [sflag:$0x3] =	stream.indirect_vreg.gather [hbm4b:s2+s4], $0x80, v4, vm0, $0xb8;
	[tilespmem:$0x11C00] =	vst v63  }
0x18a: {  	s5 =	simm.s32 $0x5800  }
0x18b: {  	[tilespmem:s5], [sflag:$0x3] =	stream.indirect_vreg.gather [hbm4b:s2+s4], $0x80, v3, vm0, $0xb8;
	[tilespmem:$0x11C00] =	vst v63  }
0x18c: {  	v3 =	vld [tilespmem:s6+$0x80];
	_ =	sdelay $0x4  }
0x18d: {  	v60 =	vperm.xlane v3, v0;
	_ =	sdelay $0x1  }
0x18e: {  	v3 =	vperm.xlane v3, v2;
	v4 =	vadd.s32 v1, v60;
	_ =	sdelay $0x1  }
0x18f: {  	v3 =	vadd.s32 v1, v3;
	_ =	sdelay $0x1  }
0x190: {  	s5 =	simm.s32 $0x6000  }
0x191: {  	[tilespmem:s5], [sflag:$0x3] =	stream.indirect_vreg.gather [hbm4b:s2+s4], $0x80, v4, vm0, $0xb8;
	[tilespmem:$0x11C00] =	vst v63  }
0x192: {  	s5 =	simm.s32 $0x6800  }
0x193: {  	[tilespmem:s5], [sflag:$0x3] =	stream.indirect_vreg.gather [hbm4b:s2+s4], $0x80, v3, vm0, $0xb8;
	[tilespmem:$0x11C00] =	vst v63  }
0x194: {  	v3 =	vld [tilespmem:s6+$0x90];
	_ =	sdelay $0x4  }
0x195: {  	v61 =	vperm.xlane v3, v0;
	_ =	sdelay $0x1  }
0x196: {  	v3 =	vperm.xlane v3, v2;
	v4 =	vadd.s32 v1, v61;
	_ =	sdelay $0x1  }
0x197: {  	v3 =	vadd.s32 v1, v3;
	_ =	sdelay $0x1  }
0x198: {  	s5 =	simm.s32 $0x7000  }
0x199: {  	[tilespmem:s5], [sflag:$0x3] =	stream.indirect_vreg.gather [hbm4b:s2+s4], $0x80, v4, vm0, $0xb8;
	[tilespmem:$0x11C00] =	vst v63  }
0x19a: {  	s5 =	simm.s32 $0x7800  }
0x19b: {  	[tilespmem:s5], [sflag:$0x3] =	stream.indirect_vreg.gather [hbm4b:s2+s4], $0x80, v3, vm0, $0xb8;
	[tilespmem:$0x11C00] =	vst v63  }
0x19c: {  	v3 =	vld [tilespmem:s6+$0xA0];
	_ =	sdelay $0x4  }
0x19d: {  	v62 =	vperm.xlane v3, v0;
	_ =	sdelay $0x1  }
0x19e: {  	v3 =	vperm.xlane v3, v2;
	v4 =	vadd.s32 v1, v62;
	_ =	sdelay $0x1  }
0x19f: {  	v3 =	vadd.s32 v1, v3;
	_ =	sdelay $0x1  }
0x1a0: {  	s5 =	simm.s32 $0x8000  }
0x1a1: {  	[tilespmem:s5], [sflag:$0x3] =	stream.indirect_vreg.gather [hbm4b:s2+s4], $0x80, v4, vm0, $0xb8;
	[tilespmem:$0x11C00] =	vst v63  }
0x1a2: {  	s5 =	simm.s32 $0x8800  }
0x1a3: {  	[tilespmem:s5], [sflag:$0x3] =	stream.indirect_vreg.gather [hbm4b:s2+s4], $0x80, v3, vm0, $0xb8;
	[tilespmem:$0x11C00] =	vst v63  }
0x1a4: {  	v3 =	vld [tilespmem:s6+$0xB0];
	_ =	sdelay $0x4  }
0x1a5: {  	v63 =	vperm.xlane v3, v0;
	_ =	sdelay $0x1  }
0x1a6: {  	v3 =	vperm.xlane v3, v2;
	v4 =	vadd.s32 v1, v63;
	_ =	sdelay $0x1  }
0x1a7: {  	v3 =	vadd.s32 v1, v3  }
.Ltmp5:
0x1a8: {  	_ = 	snop;
	(pc) =	sbr.rel .LBB2_4-.Ltmp5, $4  }
0x1a9: {  	s5 =	simm.s32 $0x9000  }
0x1aa: {  	[tilespmem:s5], [sflag:$0x3] =	stream.indirect_vreg.gather [hbm4b:s2+s4], $0x80, v4, vm0, $0xb8;
	[tilespmem:$0x11C00] =	vst v63  }
0x1ab: {  	s5 =	simm.s32 $0x9800  }
0x1ac: {  	[tilespmem:s5], [sflag:$0x3] =	stream.indirect_vreg.gather [hbm4b:s2+s4], $0x80, v3, vm0, $0xb8;
	[tilespmem:$0x11C00] =	vst v63  }
.LBB2_6:
0x1ad: {  	_ =	sfence.sel $0x180000  }
0x1ae: {  	[bflag:$0x0] =	sbarrier.arrive $0xFFFF  }
0x1af: {  	_ =	strace $0x90000047  }
0x1b0: {  	s0 =	stileid.u32;
	[bflag:$0x2] =	sbarrier.arrive $0xFFFF  }
0x1b1: {  	p0 =	sne.s32 s0, $0x0;
	s0 =	rddreg [dreg:$0x4]  }
0x1b2: {  	s0 =	sadd.s32 @!p0 $0x100000, s0  }
0x1b3: {  	[sflag:s0] =	ssyncadd.tile.s32 @!p0 $0x1;
	_ =	shalt  }
.Lfunc_end2:
_tile_overlayer_lowered:
.L_overlay_start_2:
0x1b4: {  	(tag) =	ssettag $0x2  }
0x1b5: {  	s0 =	rddreg [dreg:$0x0];
	s2 =	stileid.u32  }
0x1b6: {  	s1 =	rddreg [dreg:$0x1];
	p0 =	sne.s32 s2, $0x0  }
0x1b7: {  	s3 =	rddreg [dreg:$0x2];
	[bflag:$0x3] =	sbarrier.arrive $0xFFFF;
	s2 =	simm.s32 @!p0 $0x1C05  }
0x1b8: {  	[timem:s3], [sflag:s2] =	dma.local @!p0 [hbm:s0], s1  }
0x1b9: {  	s0 =	simm.s32 @!p0 $0x5  }
0x1ba: {  	_ =	swait.ge @!p0 [sflag:s0], s1  }
0x1bb: {  	s1 =	ssub.s32 @!p0 $0x0, s1;
	[sflag:s0] =	ssyncset.done @!p0 $0x0  }
0x1bc: {  	[sflag:s0] =	ssyncadd.s32 @!p0 s1  }
0x1bd: {  	[bflag:$0x3] =	sbarrier.arrive $0xFFFF  }
0x1be: {  	_ =	shalt  }

</sc_bundles>
